<compile_context>
chip_gen: v7x
topology: tpu7x:2x2x1
jax: 0.10.2.dev20260603
libtpu: 0.0.44.dev20260713+nightly
codegen_flags: <defaults>
</compile_context>

<pallas_src>
import functools

import jax
import jax.numpy as jnp
from jax import lax
from jax.experimental import pallas as pl
from jax.experimental.pallas import tpu as pltpu
from jax.experimental.pallas import tpu_sc as plsc

_N = 5000
_B = 1280
_NPAD = 5120
_NB = _NPAD // _B
_D = 16


def _make_sc_gather():
    info = plsc.get_sparse_core_info()
    nw = info.num_cores * info.num_subcores
    b_per_w = _NPAD // nw
    mesh = plsc.VectorSubcoreMesh(core_axis_name="c", subcore_axis_name="s")

    @functools.partial(
        pl.kernel,
        mesh=mesh,
        compiler_params=pltpu.CompilerParams(use_tc_tiling_on_sc=False),
        out_type=jax.ShapeDtypeStruct((_NPAD, _D), jnp.float32),
        scratch_types=[
            pltpu.VMEM((b_per_w,), jnp.int32),
            pltpu.VMEM((b_per_w, _D), jnp.float32),
            pltpu.SemaphoreType.DMA,
        ],
    )
    def sc_gather(table_hbm, idx_hbm, out_hbm, idx_v, rows_v, sem):
        wid = lax.axis_index("s") * info.num_cores + lax.axis_index("c")
        base = wid * b_per_w
        pltpu.sync_copy(idx_hbm.at[pl.ds(base, b_per_w)], idx_v)
        pltpu.async_copy(table_hbm.at[idx_v], rows_v, sem).wait()
        pltpu.sync_copy(rows_v, out_hbm.at[pl.ds(base, b_per_w)])

    return sc_gather


_sc_gather = _make_sc_gather()


def _prep_kernel(scores_ref, unc_ref, boxes_ref, wcol_ref, negw_ref, table_ref):
    u = unc_ref[...]
    m = (u[:, 0:1] + u[:, 1:2] + u[:, 2:3] + u[:, 3:4]) * 0.25
    w = scores_ref[...].T * (1.0 - jax.nn.sigmoid(m))
    wcol_ref[...] = w
    negw_ref[0:1, 0:_N] = -w.T
    negw_ref[0:1, _N:_NPAD] = jnp.full((1, _NPAD - _N), jnp.inf, jnp.float32)
    b = boxes_ref[...]
    a3 = (b[:, 2:3] - b[:, 0:1]) * (b[:, 3:4] - b[:, 1:2]) / 3.0
    table_ref[...] = jnp.zeros((_NPAD, _D), jnp.float32)
    table_ref[pl.ds(0, _N), 0:4] = b
    table_ref[pl.ds(0, _N), 4:5] = a3


def _nms_kernel(st_ref, keep_ref, bt_ref, tile_ref, supp_ref):
    tri = (
        jax.lax.broadcasted_iota(jnp.int32, (_B, _B), 1)
        > jax.lax.broadcasted_iota(jnp.int32, (_B, _B), 0)
    )
    supp_ref[...] = jnp.zeros((1, _NPAD), jnp.float32)

    def bt_body(j, carry):
        c0 = j * _B
        bt_ref[:, pl.ds(c0, _B)] = st_ref[pl.ds(c0, _B), :].T
        return carry

    jax.lax.fori_loop(0, _NB, bt_body, 0)

    def block_body(bi, carry):
        r0 = bi * _B
        rx0 = st_ref[pl.ds(r0, _B), 0:1]
        ry0 = st_ref[pl.ds(r0, _B), 1:2]
        rx1 = st_ref[pl.ds(r0, _B), 2:3]
        ry1 = st_ref[pl.ds(r0, _B), 3:4]
        ra3 = st_ref[pl.ds(r0, _B), 4:5]

        def iou_bin(c0):
            cx0 = bt_ref[0:1, pl.ds(c0, _B)]
            cy0 = bt_ref[1:2, pl.ds(c0, _B)]
            cx1 = bt_ref[2:3, pl.ds(c0, _B)]
            cy1 = bt_ref[3:4, pl.ds(c0, _B)]
            ca3 = bt_ref[4:5, pl.ds(c0, _B)]
            w = jnp.maximum(jnp.minimum(rx1, cx1) - jnp.maximum(rx0, cx0), 0.0)
            h = jnp.maximum(jnp.minimum(ry1, cy1) - jnp.maximum(ry0, cy0), 0.0)
            return w * h > (ra3 + ca3)

        tile_ref[...] = jnp.where(
            iou_bin(r0) & tri, 1.0, 0.0
        ).astype(jnp.bfloat16)
        active = 1.0 - supp_ref[:, pl.ds(r0, _B)]

        def w_cond(c):
            return c[1]

        def w_body(c):
            k, _ = c
            t = jnp.dot(
                k.astype(jnp.bfloat16),
                tile_ref[...],
                preferred_element_type=jnp.float32,
            )
            k_new = active * jnp.where(t < 0.5, 1.0, 0.0)
            return k_new, jnp.any(k_new != k)

        k, _ = jax.lax.while_loop(w_cond, w_body, (active, jnp.bool_(True)))
        supp_ref[:, pl.ds(r0, _B)] = 1.0 - k
        kb = k.astype(jnp.bfloat16)

        def col_body(j, carry2):
            @pl.when(j > bi)
            def _():
                c0 = j * _B
                tile = jnp.where(iou_bin(c0), 1.0, 0.0).astype(jnp.bfloat16)
                t = jnp.dot(kb, tile, preferred_element_type=jnp.float32)
                supp_ref[:, pl.ds(c0, _B)] = jnp.maximum(
                    supp_ref[:, pl.ds(c0, _B)],
                    jnp.where(t > 0.5, 1.0, 0.0),
                )

            return carry2

        jax.lax.fori_loop(0, _NB, col_body, carry, unroll=5)
        return carry

    jax.lax.fori_loop(0, _NB, block_body, 0)
    keep_ref[...] = 1.0 - supp_ref[...]


def _assemble_kernel(boxes_ref, scores_ref, unc_ref, w_ref, cont_ref, keep_ref, out_ref):
    k = keep_ref[0:1, 0:_N].T
    out_ref[:, 0:4] = boxes_ref[...] * k
    out_ref[:, 4:5] = scores_ref[...].T * k
    out_ref[:, 5:9] = unc_ref[...] * k
    out_ref[:, 9:10] = w_ref[...] * k
    out_ref[:, 10:74] = cont_ref[...] * k


def kernel(contours, scores, boxes, uncertainties):
    wcol, negw, table = pl.pallas_call(
        _prep_kernel,
        out_shape=(
            jax.ShapeDtypeStruct((_N, 1), jnp.float32),
            jax.ShapeDtypeStruct((1, _NPAD), jnp.float32),
            jax.ShapeDtypeStruct((_NPAD, _D), jnp.float32),
        ),
    )(scores.reshape(1, _N), uncertainties, boxes)
    order_pad = jnp.argsort(negw.reshape(_NPAD)).astype(jnp.int32)
    sorted_table = _sc_gather(table, order_pad)
    keep_row = pl.pallas_call(
        _nms_kernel,
        out_shape=jax.ShapeDtypeStruct((1, _NPAD), jnp.float32),
        scratch_shapes=[
            pltpu.VMEM((_D, _NPAD), jnp.float32),
            pltpu.VMEM((_B, _B), jnp.bfloat16),
            pltpu.VMEM((1, _NPAD), jnp.float32),
        ],
    )(sorted_table)
    _, keep_pad = jax.lax.sort((order_pad, keep_row.reshape(_NPAD)), num_keys=1)
    out = pl.pallas_call(
        _assemble_kernel,
        out_shape=jax.ShapeDtypeStruct((_N, 74), jnp.float32),
    )(
        boxes,
        scores.reshape(1, _N),
        uncertainties,
        wcol,
        contours.reshape(_N, -1),
        keep_pad.reshape(1, _NPAD),
    )
    return out

# --- scband reference (transcript-rebuilt; emitter-appended) ---
"""Pipeline reference for scband-cpn-inference-16166256902258 (READ-ONLY COPY).

The authoritative reference and input builder live on the scoring server;
editing this copy changes nothing except your own understanding.
"""

import jax, jax.numpy as jnp
import numpy as np

N = 5000
P = 32
IOU_THRESHOLD = 0.5

def _pairwise_iou(boxes):
    area = (boxes[:, 2] - boxes[:, 0]) * (boxes[:, 3] - boxes[:, 1])
    lt = jnp.maximum(boxes[:, None, :2], boxes[None, :, :2])
    rb = jnp.minimum(boxes[:, None, 2:], boxes[None, :, 2:])
    wh = jnp.clip(rb - lt, 0.0, None)
    inter = wh[..., 0] * wh[..., 1]
    union = area[:, None] + area[None, :] - inter
    return inter / jnp.maximum(union, 1e-9)

def _nms_keep(boxes, weights, iou_threshold):
    n = boxes.shape[0]
    order = jnp.argsort(-weights)
    iou = _pairwise_iou(boxes[order])
    idx = jnp.arange(n)
    def body(i, suppressed):
        active = jnp.logical_not(suppressed[i])
        newly = (iou[i] > iou_threshold) & (idx > i) & active
        return suppressed | newly
    suppressed = jax.lax.fori_loop(0, n, body, jnp.zeros(n, dtype=bool))
    keep_sorted = jnp.logical_not(suppressed)
    return jnp.zeros(n, dtype=bool).at[order].set(keep_sorted)

def setup_inputs(seed: int = 0):
    key = jax.random.key(seed)
    k1, k2, k3, k4, k5 = jax.random.split(key, 5)
    xy = jax.random.uniform(k1, (N, 2), dtype=jnp.float32, minval=0.0, maxval=4096.0)
    wh = jax.random.uniform(k2, (N, 2), dtype=jnp.float32, minval=8.0, maxval=96.0)
    boxes = jnp.concatenate([xy, xy + wh], axis=1)
    scores = jax.random.uniform(k3, (N,), dtype=jnp.float32)
    uncertainties = jax.random.normal(k4, (N, 4), dtype=jnp.float32)
    contours = jax.random.normal(k5, (N, P, 2), dtype=jnp.float32)
    return {"contours": contours, "scores": scores, "boxes": boxes, "uncertainties": uncertainties}

def reference(contours, scores, boxes, uncertainties):
    # apply_rep_voting core: weighted NMS score = scores * (1 - sigmoid(mean uncertainty))
    nms_weight = scores * (1.0 - jax.nn.sigmoid(uncertainties.mean(axis=1)))
    keep = _nms_keep(jax.lax.stop_gradient(boxes), jax.lax.stop_gradient(nms_weight), IOU_THRESHOLD)
    keep_f = keep.astype(boxes.dtype)[:, None]
    flat_contours = contours.reshape(contours.shape[0], -1)
    out = jnp.concatenate([boxes, scores[:, None], uncertainties, nms_weight[:, None], flat_contours], axis=1)
    # fixed-shape output: suppressed detections zeroed instead of dropped (jit-friendly)
    return out * keep_f

if __name__ == "__main__":
    import jax
    _d = setup_inputs()
    print(jax.jit(kernel)(*tuple(_d.values())))

</pallas_src>

<mosaic_0001>
#map = affine_map<(d0, d1) -> (0, 0)>
#map1 = affine_map<(d0, d1) -> (0)>
module attributes {stable_mosaic.version = 14 : i64} {
  func.func @sc_gather(%arg0: i32, %arg1: i32, %arg2: memref<5120x16xf32, #tpu.memory_space<hbm>>, %arg3: memref<5120xi32, #tpu.memory_space<hbm>>, %arg4: memref<5120x16xf32, #tpu.memory_space<hbm>>, %arg5: memref<160xi32, #tpu.memory_space<vmem>>, %arg6: memref<160x16xf32, #tpu.memory_space<vmem>>, %arg7: memref<!tpu.dma_semaphore, #tpu.memory_space<semaphore_mem>>) attributes {dimension_semantics = [#tpu.dimension_semantics<core_parallel>, #tpu.dimension_semantics<subcore_parallel>], iteration_bounds = array<i64: 2, 16>, scalar_prefetch = 0 : i64, scratch_operands = 3 : i64, tpu.core_type = #tpu.core_type<sc_vector_subcore>, window_params = [{transform_indices = #map}, {transform_indices = #map1}, {transform_indices = #map}]} {
    %mul3A = arith.constant 2 : i32
    %mul3A_0 = arith.muli %arg1, %mul3A : i32
    %add3A = arith.addi %mul3A_0, %arg0 : i32
    %mul3A_1 = arith.constant 160 : i32
    %mul3A_2 = arith.muli %add3A, %mul3A_1 : i32
    "tpu.region"() ({
      %run_scoped3A = tpu.sem_alloc : memref<!tpu.dma_semaphore, #tpu.memory_space<semaphore_mem>>
      %dma_start3A_7 = tpu.memref_slice %arg3[%mul3A_2] : memref<5120xi32, #tpu.memory_space<hbm>> -> memref<160xi32, #tpu.memory_space<hbm>>
      %dma_start3A_8 = tpu.memref_slice %arg3[%mul3A_2] : memref<5120xi32, #tpu.memory_space<hbm>> -> memref<160xi32, #tpu.memory_space<hbm>>
      tpu.enqueue_dma source(%dma_start3A_8 : memref<160xi32, #tpu.memory_space<hbm>>) target(%arg5 : memref<160xi32, #tpu.memory_space<vmem>>) target_semaphore(%run_scoped3A : memref<!tpu.dma_semaphore, #tpu.memory_space<semaphore_mem>>)
      %dma_wait3A_9 = tpu.memref_slice %arg3[%mul3A_2] : memref<5120xi32, #tpu.memory_space<hbm>> -> memref<160xi32, #tpu.memory_space<hbm>>
      %dma_wait3A_10 = tpu.memref_slice %arg3[%mul3A_2] : memref<5120xi32, #tpu.memory_space<hbm>> -> memref<160xi32, #tpu.memory_space<hbm>>
      tpu.wait_dma2 semaphore(%run_scoped3A : memref<!tpu.dma_semaphore, #tpu.memory_space<semaphore_mem>>) src(%dma_wait3A_10 : memref<160xi32, #tpu.memory_space<hbm>>) dst(%arg5 : memref<160xi32, #tpu.memory_space<vmem>>)
      tpu.yield
    }) : () -> ()
    %dma_start3A = arith.constant 0 : i32
    %dma_start3A_3 = arith.constant 0 : i32
    %dma_start3A_4 = tpu.memref_slice %arg2[%dma_start3A, %dma_start3A_3] : memref<5120x16xf32, #tpu.memory_space<hbm>> -> memref<5120x16xf32, #tpu.memory_space<hbm>>
    tpu.enqueue_indirect_dma source(%dma_start3A_4 : memref<5120x16xf32, #tpu.memory_space<hbm>>) target(%arg6 : memref<160x16xf32, #tpu.memory_space<vmem>>) offsets(%arg5 : memref<160xi32, #tpu.memory_space<vmem>>) semaphore(%arg7 : memref<!tpu.dma_semaphore, #tpu.memory_space<semaphore_mem>>)
    %dma_wait3A = arith.constant 0 : i32
    %dma_wait3A_5 = arith.constant 0 : i32
    %dma_wait3A_6 = tpu.memref_slice %arg2[%dma_wait3A, %dma_wait3A_5] : memref<5120x16xf32, #tpu.memory_space<hbm>> -> memref<5120x16xf32, #tpu.memory_space<hbm>>
    tpu.wait_indirect_dma semaphore(%arg7 : memref<!tpu.dma_semaphore, #tpu.memory_space<semaphore_mem>>) src(%dma_wait3A_6 : memref<5120x16xf32, #tpu.memory_space<hbm>>) dst(%arg6 : memref<160x16xf32, #tpu.memory_space<vmem>>)
    "tpu.region"() ({
      %run_scoped3A = tpu.sem_alloc : memref<!tpu.dma_semaphore, #tpu.memory_space<semaphore_mem>>
      %dma_start3A_7 = arith.constant 0 : i32
      %dma_start3A_8 = tpu.memref_slice %arg4[%mul3A_2, %dma_start3A_7] : memref<5120x16xf32, #tpu.memory_space<hbm>> -> memref<160x16xf32, #tpu.memory_space<hbm>>
      %dma_start3A_9 = arith.constant 0 : i32
      %dma_start3A_10 = tpu.memref_slice %arg4[%mul3A_2, %dma_start3A_9] : memref<5120x16xf32, #tpu.memory_space<hbm>> -> memref<160x16xf32, #tpu.memory_space<hbm>>
      tpu.enqueue_dma source(%arg6 : memref<160x16xf32, #tpu.memory_space<vmem>>) target(%dma_start3A_10 : memref<160x16xf32, #tpu.memory_space<hbm>>) target_semaphore(%run_scoped3A : memref<!tpu.dma_semaphore, #tpu.memory_space<semaphore_mem>>)
      %dma_wait3A_11 = arith.constant 0 : i32
      %dma_wait3A_12 = tpu.memref_slice %arg4[%mul3A_2, %dma_wait3A_11] : memref<5120x16xf32, #tpu.memory_space<hbm>> -> memref<160x16xf32, #tpu.memory_space<hbm>>
      %dma_wait3A_13 = arith.constant 0 : i32
      %dma_wait3A_14 = tpu.memref_slice %arg4[%mul3A_2, %dma_wait3A_13] : memref<5120x16xf32, #tpu.memory_space<hbm>> -> memref<160x16xf32, #tpu.memory_space<hbm>>
      tpu.wait_dma2 semaphore(%run_scoped3A : memref<!tpu.dma_semaphore, #tpu.memory_space<semaphore_mem>>) src(%arg6 : memref<160x16xf32, #tpu.memory_space<vmem>>) dst(%dma_wait3A_14 : memref<160x16xf32, #tpu.memory_space<hbm>>)
      tpu.yield
    }) : () -> ()
    return
  }
}

module attributes {stable_mosaic.version = 14 : i64} {
  func.func @_prep_kernel(%arg0: memref<1x5000xf32, #tpu.memory_space<vmem>>, %arg1: memref<5000x4xf32, #tpu.memory_space<vmem>>, %arg2: memref<5000x4xf32, #tpu.memory_space<vmem>>, %arg3: memref<5000x1xf32, #tpu.memory_space<vmem>>, %arg4: memref<1x5120xf32, #tpu.memory_space<vmem>>, %arg5: memref<5120x16xf32, #tpu.memory_space<vmem>>) attributes {dimension_semantics = [], scalar_prefetch = 0 : i64, scratch_operands = 0 : i64, tpu.core_type = #tpu.core_type<tc>} {
    %get3A = arith.constant 0 : index
    %get3A_0 = arith.constant 0 : index
    %get3A_1 = vector.load %arg1[%get3A, %get3A_0] : memref<5000x4xf32, #tpu.memory_space<vmem>>, vector<5000x4xf32>
    %slice3A = vector.extract_strided_slice %get3A_1 {offsets = [0, 0], sizes = [5000, 1], strides = [1, 1]} : vector<5000x4xf32> to vector<5000x1xf32>
    %slice3A_2 = vector.extract_strided_slice %get3A_1 {offsets = [0, 1], sizes = [5000, 1], strides = [1, 1]} : vector<5000x4xf32> to vector<5000x1xf32>
    %add3A = arith.addf %slice3A, %slice3A_2 : vector<5000x1xf32>
    %slice3A_3 = vector.extract_strided_slice %get3A_1 {offsets = [0, 2], sizes = [5000, 1], strides = [1, 1]} : vector<5000x4xf32> to vector<5000x1xf32>
    %add3A_4 = arith.addf %add3A, %slice3A_3 : vector<5000x1xf32>
    %slice3A_5 = vector.extract_strided_slice %get3A_1 {offsets = [0, 3], sizes = [5000, 1], strides = [1, 1]} : vector<5000x4xf32> to vector<5000x1xf32>
    %add3A_6 = arith.addf %add3A_4, %slice3A_5 : vector<5000x1xf32>
    %mul3A = arith.constant 2.500000e-01 : f32
    %mul3A_7 = vector.broadcast %mul3A : f32 to vector<5000x1xf32>
    %mul3A_8 = arith.mulf %add3A_6, %mul3A_7 : vector<5000x1xf32>
    %get3A_9 = arith.constant 0 : index
    %get3A_10 = arith.constant 0 : index
    %get3A_11 = vector.load %arg0[%get3A_9, %get3A_10] : memref<1x5000xf32, #tpu.memory_space<vmem>>, vector<1x5000xf32>
    %transpose3A = tpu.transpose %get3A_11, [1, 0] : vector<1x5000xf32> -> vector<5000x1xf32>
    %logistic3A = arith.negf %mul3A_8 : vector<5000x1xf32>
    %logistic3A_12 = math.exp %logistic3A : vector<5000x1xf32>
    %logistic3A_13 = arith.constant 1.000000e+00 : f32
    %logistic3A_14 = vector.broadcast %logistic3A_13 : f32 to vector<5000x1xf32>
    %logistic3A_15 = arith.addf %logistic3A_14, %logistic3A_12 : vector<5000x1xf32>
    %logistic3A_16 = arith.divf %logistic3A_14, %logistic3A_15 : vector<5000x1xf32>
    %sub3A = arith.constant 1.000000e+00 : f32
    %sub3A_17 = vector.broadcast %sub3A : f32 to vector<5000x1xf32>
    %sub3A_18 = arith.subf %sub3A_17, %logistic3A_16 : vector<5000x1xf32>
    %mul3A_19 = arith.mulf %transpose3A, %sub3A_18 : vector<5000x1xf32>
    %swap3A = arith.constant 0 : index
    %swap3A_20 = arith.constant 0 : index
    %swap3A_21 = vector.load %arg3[%swap3A, %swap3A_20] : memref<5000x1xf32, #tpu.memory_space<vmem>>, vector<5000x1xf32>
    tpu.vector_store %arg3[%swap3A, %swap3A_20], %mul3A_19 {strides = array<i32>} : memref<5000x1xf32, #tpu.memory_space<vmem>>, vector<5000x1xf32>,
    %transpose3A_22 = tpu.transpose %mul3A_19, [1, 0] : vector<5000x1xf32> -> vector<1x5000xf32>
    %neg3A = arith.constant 0.000000e+00 : f32
    %neg3A_23 = vector.broadcast %neg3A : f32 to vector<1x5000xf32>
    %neg3A_24 = arith.subf %neg3A_23, %transpose3A_22 : vector<1x5000xf32>
    %swap3A_25 = arith.constant 0 : index
    %swap3A_26 = arith.constant 0 : index
    %swap3A_27 = vector.load %arg4[%swap3A_25, %swap3A_26] : memref<1x5120xf32, #tpu.memory_space<vmem>>, vector<1x5000xf32>
    tpu.vector_store %arg4[%swap3A_25, %swap3A_26], %neg3A_24 {strides = array<i32>} : memref<1x5120xf32, #tpu.memory_space<vmem>>, vector<1x5000xf32>,
    %broadcast_in_dim3A = arith.constant 0x7F800000 : f32
    %broadcast_in_dim3A_28 = vector.broadcast %broadcast_in_dim3A : f32 to vector<1x120xf32>
    %swap3A_29 = arith.constant 0 : index
    %swap3A_30 = arith.constant 5000 : index
    %swap3A_31 = vector.load %arg4[%swap3A_29, %swap3A_30] : memref<1x5120xf32, #tpu.memory_space<vmem>>, vector<1x120xf32>
    tpu.vector_store %arg4[%swap3A_29, %swap3A_30], %broadcast_in_dim3A_28 {strides = array<i32>} : memref<1x5120xf32, #tpu.memory_space<vmem>>, vector<1x120xf32>,
    %get3A_32 = arith.constant 0 : index
    %get3A_33 = arith.constant 0 : index
    %get3A_34 = vector.load %arg2[%get3A_32, %get3A_33] : memref<5000x4xf32, #tpu.memory_space<vmem>>, vector<5000x4xf32>
    %slice3A_35 = vector.extract_strided_slice %get3A_34 {offsets = [0, 2], sizes = [5000, 1], strides = [1, 1]} : vector<5000x4xf32> to vector<5000x1xf32>
    %slice3A_36 = vector.extract_strided_slice %get3A_34 {offsets = [0, 0], sizes = [5000, 1], strides = [1, 1]} : vector<5000x4xf32> to vector<5000x1xf32>
    %sub3A_37 = arith.subf %slice3A_35, %slice3A_36 : vector<5000x1xf32>
    %slice3A_38 = vector.extract_strided_slice %get3A_34 {offsets = [0, 3], sizes = [5000, 1], strides = [1, 1]} : vector<5000x4xf32> to vector<5000x1xf32>
    %slice3A_39 = vector.extract_strided_slice %get3A_34 {offsets = [0, 1], sizes = [5000, 1], strides = [1, 1]} : vector<5000x4xf32> to vector<5000x1xf32>
    %sub3A_40 = arith.subf %slice3A_38, %slice3A_39 : vector<5000x1xf32>
    %mul3A_41 = arith.mulf %sub3A_37, %sub3A_40 : vector<5000x1xf32>
    %div3A = arith.constant 3.000000e+00 : f32
    %div3A_42 = vector.broadcast %div3A : f32 to vector<5000x1xf32>
    %div3A_43 = arith.divf %mul3A_41, %div3A_42 : vector<5000x1xf32>
    %broadcast_in_dim3A_44 = arith.constant 0.000000e+00 : f32
    %broadcast_in_dim3A_45 = vector.broadcast %broadcast_in_dim3A_44 : f32 to vector<5120x16xf32>
    %swap3A_46 = arith.constant 0 : index
    %swap3A_47 = arith.constant 0 : index
    %swap3A_48 = vector.load %arg5[%swap3A_46, %swap3A_47] : memref<5120x16xf32, #tpu.memory_space<vmem>>, vector<5120x16xf32>
    tpu.vector_store %arg5[%swap3A_46, %swap3A_47], %broadcast_in_dim3A_45 {strides = array<i32>} : memref<5120x16xf32, #tpu.memory_space<vmem>>, vector<5120x16xf32>,
    %swap3A_49 = arith.constant 0 : index
    %swap3A_50 = arith.constant 0 : index
    %swap3A_51 = vector.load %arg5[%swap3A_49, %swap3A_50] : memref<5120x16xf32, #tpu.memory_space<vmem>>, vector<5000x4xf32>
    tpu.vector_store %arg5[%swap3A_49, %swap3A_50], %get3A_34 {strides = array<i32>} : memref<5120x16xf32, #tpu.memory_space<vmem>>, vector<5000x4xf32>,
    %swap3A_52 = arith.constant 0 : index
    %swap3A_53 = arith.constant 4 : index
    %swap3A_54 = vector.load %arg5[%swap3A_52, %swap3A_53] : memref<5120x16xf32, #tpu.memory_space<vmem>>, vector<5000x1xf32>
    tpu.vector_store %arg5[%swap3A_52, %swap3A_53], %div3A_43 {strides = array<i32>} : memref<5120x16xf32, #tpu.memory_space<vmem>>, vector<5000x1xf32>,
    return
  }
}

module attributes {stable_mosaic.version = 14 : i64} {
  func.func @_nms_kernel(%arg0: memref<5120x16xf32, #tpu.memory_space<vmem>>, %arg1: memref<1x5120xf32, #tpu.memory_space<vmem>>, %arg2: memref<16x5120xf32, #tpu.memory_space<vmem>>, %arg3: memref<1280x1280xbf16, #tpu.memory_space<vmem>>, %arg4: memref<1x5120xf32, #tpu.memory_space<vmem>>) attributes {dimension_semantics = [], scalar_prefetch = 0 : i64, scratch_operands = 3 : i64, tpu.core_type = #tpu.core_type<tc>} {
    %iota3A = tpu.iota {dimensions = array<i32: 1>} : vector<1280x1280xi32>
    %iota3A_0 = tpu.iota {dimensions = array<i32: 0>} : vector<1280x1280xi32>
    %gt3A = arith.cmpi sgt, %iota3A, %iota3A_0 : vector<1280x1280xi32>
    %broadcast_in_dim3A = arith.constant 0.000000e+00 : f32
    %broadcast_in_dim3A_1 = vector.broadcast %broadcast_in_dim3A : f32 to vector<1x5120xf32>
    %swap3A = arith.constant 0 : index
    %swap3A_2 = arith.constant 0 : index
    %swap3A_3 = vector.load %arg4[%swap3A, %swap3A_2] : memref<1x5120xf32, #tpu.memory_space<vmem>>, vector<1x5120xf32>
    tpu.vector_store %arg4[%swap3A, %swap3A_2], %broadcast_in_dim3A_1 {strides = array<i32>} : memref<1x5120xf32, #tpu.memory_space<vmem>>, vector<1x5120xf32>,
    %scan3A = arith.constant 0 : i32
    %scan3A_4 = arith.constant 4 : i32
    %scan3A_5 = arith.addi %scan3A, %scan3A_4 : i32
    %scan3A_6 = arith.constant 1 : i32
    scf.for %scan3A_20 = %scan3A to %scan3A_5 step %scan3A_6  : i32 {
      %mul3A = arith.constant 1280 : i32
      %mul3A_21 = arith.muli %scan3A_20, %mul3A : i32
      %get3A_22 = arith.index_cast %mul3A_21 : i32 to index
      %get3A_23 = arith.constant 0 : index
      %get3A_24 = vector.load %arg0[%get3A_22, %get3A_23] : memref<5120x16xf32, #tpu.memory_space<vmem>>, vector<1280x16xf32>
      %transpose3A = tpu.transpose %get3A_24, [1, 0] : vector<1280x16xf32> -> vector<16x1280xf32>
      %swap3A_25 = arith.constant 0 : index
      %swap3A_26 = arith.index_cast %mul3A_21 : i32 to index
      %swap3A_27 = vector.load %arg2[%swap3A_25, %swap3A_26] : memref<16x5120xf32, #tpu.memory_space<vmem>>, vector<16x1280xf32>
      tpu.vector_store %arg2[%swap3A_25, %swap3A_26], %transpose3A {strides = array<i32>} : memref<16x5120xf32, #tpu.memory_space<vmem>>, vector<16x1280xf32>,
    }
    %scan3A_7 = arith.constant 4 : i32
    %scan3A_8 = arith.constant 0 : i32
    %scan3A_9 = arith.constant 4 : i32
    %scan3A_10 = arith.addi %scan3A_8, %scan3A_9 : i32
    %scan3A_11 = arith.constant 1 : i32
    scf.for %scan3A_20 = %scan3A_8 to %scan3A_10 step %scan3A_11  : i32 {
      %mul3A = arith.constant 1280 : i32
      %mul3A_21 = arith.muli %scan3A_20, %mul3A : i32
      %get3A_22 = arith.index_cast %mul3A_21 : i32 to index
      %get3A_23 = arith.constant 0 : index
      %get3A_24 = vector.load %arg0[%get3A_22, %get3A_23] : memref<5120x16xf32, #tpu.memory_space<vmem>>, vector<1280x1xf32>
      %get3A_25 = arith.index_cast %mul3A_21 : i32 to index
      %get3A_26 = arith.constant 1 : index
      %get3A_27 = vector.load %arg0[%get3A_25, %get3A_26] : memref<5120x16xf32, #tpu.memory_space<vmem>>, vector<1280x1xf32>
      %get3A_28 = arith.index_cast %mul3A_21 : i32 to index
      %get3A_29 = arith.constant 2 : index
      %get3A_30 = vector.load %arg0[%get3A_28, %get3A_29] : memref<5120x16xf32, #tpu.memory_space<vmem>>, vector<1280x1xf32>
      %get3A_31 = arith.index_cast %mul3A_21 : i32 to index
      %get3A_32 = arith.constant 3 : index
      %get3A_33 = vector.load %arg0[%get3A_31, %get3A_32] : memref<5120x16xf32, #tpu.memory_space<vmem>>, vector<1280x1xf32>
      %get3A_34 = arith.index_cast %mul3A_21 : i32 to index
      %get3A_35 = arith.constant 4 : index
      %get3A_36 = vector.load %arg0[%get3A_34, %get3A_35] : memref<5120x16xf32, #tpu.memory_space<vmem>>, vector<1280x1xf32>
      %get3A_37 = arith.constant 0 : index
      %get3A_38 = arith.index_cast %mul3A_21 : i32 to index
      %get3A_39 = vector.load %arg2[%get3A_37, %get3A_38] : memref<16x5120xf32, #tpu.memory_space<vmem>>, vector<1x1280xf32>
      %get3A_40 = arith.constant 1 : index
      %get3A_41 = arith.index_cast %mul3A_21 : i32 to index
      %get3A_42 = vector.load %arg2[%get3A_40, %get3A_41] : memref<16x5120xf32, #tpu.memory_space<vmem>>, vector<1x1280xf32>
      %get3A_43 = arith.constant 2 : index
      %get3A_44 = arith.index_cast %mul3A_21 : i32 to index
      %get3A_45 = vector.load %arg2[%get3A_43, %get3A_44] : memref<16x5120xf32, #tpu.memory_space<vmem>>, vector<1x1280xf32>
      %get3A_46 = arith.constant 3 : index
      %get3A_47 = arith.index_cast %mul3A_21 : i32 to index
      %get3A_48 = vector.load %arg2[%get3A_46, %get3A_47] : memref<16x5120xf32, #tpu.memory_space<vmem>>, vector<1x1280xf32>
      %get3A_49 = arith.constant 4 : index
      %get3A_50 = arith.index_cast %mul3A_21 : i32 to index
      %get3A_51 = vector.load %arg2[%get3A_49, %get3A_50] : memref<16x5120xf32, #tpu.memory_space<vmem>>, vector<1x1280xf32>
      %min3A = vector.broadcast %get3A_30 : vector<1280x1xf32> to vector<1280x1280xf32>
      %min3A_52 = vector.broadcast %get3A_45 : vector<1x1280xf32> to vector<1280x1280xf32>
      %min3A_53 = arith.minimumf %min3A, %min3A_52 : vector<1280x1280xf32>
      %max3A = vector.broadcast %get3A_24 : vector<1280x1xf32> to vector<1280x1280xf32>
      %max3A_54 = vector.broadcast %get3A_39 : vector<1x1280xf32> to vector<1280x1280xf32>
      %max3A_55 = arith.maximumf %max3A, %max3A_54 : vector<1280x1280xf32>
      %sub3A_56 = arith.subf %min3A_53, %max3A_55 : vector<1280x1280xf32>
      %max3A_57 = arith.constant 0.000000e+00 : f32
      %max3A_58 = vector.broadcast %max3A_57 : f32 to vector<1280x1280xf32>
      %max3A_59 = arith.maximumf %sub3A_56, %max3A_58 : vector<1280x1280xf32>
      %min3A_60 = vector.broadcast %get3A_33 : vector<1280x1xf32> to vector<1280x1280xf32>
      %min3A_61 = vector.broadcast %get3A_48 : vector<1x1280xf32> to vector<1280x1280xf32>
      %min3A_62 = arith.minimumf %min3A_60, %min3A_61 : vector<1280x1280xf32>
      %max3A_63 = vector.broadcast %get3A_27 : vector<1280x1xf32> to vector<1280x1280xf32>
      %max3A_64 = vector.broadcast %get3A_42 : vector<1x1280xf32> to vector<1280x1280xf32>
      %max3A_65 = arith.maximumf %max3A_63, %max3A_64 : vector<1280x1280xf32>
      %sub3A_66 = arith.subf %min3A_62, %max3A_65 : vector<1280x1280xf32>
      %max3A_67 = arith.constant 0.000000e+00 : f32
      %max3A_68 = vector.broadcast %max3A_67 : f32 to vector<1280x1280xf32>
      %max3A_69 = arith.maximumf %sub3A_66, %max3A_68 : vector<1280x1280xf32>
      %mul3A_70 = arith.mulf %max3A_59, %max3A_69 : vector<1280x1280xf32>
      %add3A = vector.broadcast %get3A_36 : vector<1280x1xf32> to vector<1280x1280xf32>
      %add3A_71 = vector.broadcast %get3A_51 : vector<1x1280xf32> to vector<1280x1280xf32>
      %add3A_72 = arith.addf %add3A, %add3A_71 : vector<1280x1280xf32>
      %gt3A_73 = arith.cmpf ogt, %mul3A_70, %add3A_72 : vector<1280x1280xf32>
      %and3A = arith.andi %gt3A_73, %gt3A : vector<1280x1280xi1>
      %jit3A = arith.constant 1.000000e+00 : f32
      %jit3A_74 = arith.constant 0.000000e+00 : f32
      %broadcast_in_dim3A_75 = vector.broadcast %jit3A : f32 to vector<1280x1280xf32>
      %broadcast_in_dim3A_76 = vector.broadcast %jit3A_74 : f32 to vector<1280x1280xf32>
      %select_n3A = arith.select %and3A, %broadcast_in_dim3A_75, %broadcast_in_dim3A_76 : vector<1280x1280xi1>, vector<1280x1280xf32>
      %convert_element_type3A = arith.truncf %select_n3A : vector<1280x1280xf32> to vector<1280x1280xbf16>
      %swap3A_77 = arith.constant 0 : index
      %swap3A_78 = arith.constant 0 : index
      %swap3A_79 = vector.load %arg3[%swap3A_77, %swap3A_78] : memref<1280x1280xbf16, #tpu.memory_space<vmem>>, vector<1280x1280xbf16>
      tpu.vector_store %arg3[%swap3A_77, %swap3A_78], %convert_element_type3A {strides = array<i32>} : memref<1280x1280xbf16, #tpu.memory_space<vmem>>, vector<1280x1280xbf16>,
      %get3A_80 = arith.constant 0 : index
      %get3A_81 = arith.index_cast %mul3A_21 : i32 to index
      %get3A_82 = vector.load %arg4[%get3A_80, %get3A_81] : memref<1x5120xf32, #tpu.memory_space<vmem>>, vector<1x1280xf32>
      %sub3A_83 = arith.constant 1.000000e+00 : f32
      %sub3A_84 = vector.broadcast %sub3A_83 : f32 to vector<1x1280xf32>
      %sub3A_85 = arith.subf %sub3A_84, %get3A_82 : vector<1x1280xf32>
      %while3A = arith.constant true
      %while3A_86:2 = scf.while (%while3A_121 = %sub3A_85, %while3A_122 = %while3A) : (vector<1x1280xf32>, i1) -> (vector<1x1280xf32>, i1) {
        scf.condition(%while3A_122) %while3A_121, %while3A_122 : vector<1x1280xf32>, i1
      } do {
      ^bb0(%while3A_121: vector<1x1280xf32>, %while3A_122: i1):
        %convert_element_type3A_123 = arith.truncf %while3A_121 : vector<1x1280xf32> to vector<1x1280xbf16>
        %get3A_124 = arith.constant 0 : index
        %get3A_125 = arith.constant 0 : index
        %get3A_126 = vector.load %arg3[%get3A_124, %get3A_125] : memref<1280x1280xbf16, #tpu.memory_space<vmem>>, vector<1280x1280xbf16>
        %dot_general3A = arith.constant dense<0.000000e+00> : vector<1x1280xf32>
        %dot_general3A_127 = tpu.matmul %convert_element_type3A_123, %get3A_126, %dot_general3A {dimension_numbers = #tpu.dot_dimension_numbers<[1], [0], [0], [1], [0, 0, 1, 1], [], []>, transpose_lhs_hint = false} : vector<1x1280xbf16>, vector<1280x1280xbf16>, vector<1x1280xf32> -> vector<1x1280xf32>
        %lt3A = arith.constant 5.000000e-01 : f32
        %lt3A_128 = vector.broadcast %lt3A : f32 to vector<1x1280xf32>
        %lt3A_129 = arith.cmpf olt, %dot_general3A_127, %lt3A_128 : vector<1x1280xf32>
        %jit3A_130 = arith.constant 1.000000e+00 : f32
        %jit3A_131 = arith.constant 0.000000e+00 : f32
        %broadcast_in_dim3A_132 = vector.broadcast %jit3A_130 : f32 to vector<1x1280xf32>
        %broadcast_in_dim3A_133 = vector.broadcast %jit3A_131 : f32 to vector<1x1280xf32>
        %select_n3A_134 = arith.select %lt3A_129, %broadcast_in_dim3A_132, %broadcast_in_dim3A_133 : vector<1x1280xi1>, vector<1x1280xf32>
        %mul3A_135 = arith.mulf %sub3A_85, %select_n3A_134 : vector<1x1280xf32>
        %ne3A = arith.cmpf one, %mul3A_135, %while3A_121 : vector<1x1280xf32>
        %reduce_or3A = arith.constant 1.000000e+00 : f32
        %reduce_or3A_136 = arith.constant 0.000000e+00 : f32
        %reduce_or3A_137 = vector.broadcast %reduce_or3A : f32 to vector<1x1280xf32>
        %reduce_or3A_138 = vector.broadcast %reduce_or3A_136 : f32 to vector<1x1280xf32>
        %reduce_or3A_139 = arith.select %ne3A, %reduce_or3A_137, %reduce_or3A_138 : vector<1x1280xi1>, vector<1x1280xf32>
        %reduce_or3A_140 = vector.shape_cast %reduce_or3A_139 : vector<1x1280xf32> to vector<1x1x1280xf32>
        %reduce_or3A_141 = arith.constant dense<0xFF800000> : vector<1xf32>
        %reduce_or3A_142 = vector.multi_reduction <maximumf>, %reduce_or3A_140, %reduce_or3A_141 [1, 2] : vector<1x1x1280xf32> to vector<1xf32>
        %reduce_or3A_143 = vector.shape_cast %reduce_or3A_142 : vector<1xf32> to vector<1x1x1xf32>
        %reduce_or3A_144 = vector.extract %reduce_or3A_143[0, 0, 0] : f32 from vector<1x1x1xf32>
        %reduce_or3A_145 = arith.constant 0.000000e+00 : f32
        %reduce_or3A_146 = arith.cmpf ogt, %reduce_or3A_144, %reduce_or3A_145 : f32
        scf.yield %mul3A_135, %reduce_or3A_146 : vector<1x1280xf32>, i1
      }
      %sub3A_87 = arith.constant 1.000000e+00 : f32
      %sub3A_88 = vector.broadcast %sub3A_87 : f32 to vector<1x1280xf32>
      %sub3A_89 = arith.subf %sub3A_88, %while3A_86#0 : vector<1x1280xf32>
      %swap3A_90 = arith.constant 0 : index
      %swap3A_91 = arith.index_cast %mul3A_21 : i32 to index
      %swap3A_92 = vector.load %arg4[%swap3A_90, %swap3A_91] : memref<1x5120xf32, #tpu.memory_space<vmem>>, vector<1x1280xf32>
      tpu.vector_store %arg4[%swap3A_90, %swap3A_91], %sub3A_89 {strides = array<i32>} : memref<1x5120xf32, #tpu.memory_space<vmem>>, vector<1x1280xf32>,
      %convert_element_type3A_93 = arith.truncf %while3A_86#0 : vector<1x1280xf32> to vector<1x1280xbf16>
      %scan3A_94 = arith.constant 0 : i32
      %scan3A_95 = arith.constant 0 : i32
      %scan3A_96 = arith.addi %scan3A_94, %scan3A_95 : i32
      %scan3A_97 = arith.constant 0 : i32
      %scan3A_98 = arith.addi %scan3A_94, %scan3A_97 : i32
      %gt3A_99 = arith.cmpi sgt, %scan3A_98, %scan3A_20 : i32
      %convert_element_type3A_100 = arith.extui %gt3A_99 : i1 to i32
      %cond3A = arith.constant 0 : i32
      %cond3A_101 = arith.cmpi ne, %convert_element_type3A_100, %cond3A : i32
      scf.if %cond3A_101 {
        %mul3A_121 = arith.constant 1280 : i32
        %mul3A_122 = arith.muli %scan3A_98, %mul3A_121 : i32
        %get3A_123 = arith.constant 0 : index
        %get3A_124 = arith.index_cast %mul3A_122 : i32 to index
        %get3A_125 = vector.load %arg2[%get3A_123, %get3A_124] : memref<16x5120xf32, #tpu.memory_space<vmem>>, vector<1x1280xf32>
        %get3A_126 = arith.constant 1 : index
        %get3A_127 = arith.index_cast %mul3A_122 : i32 to index
        %get3A_128 = vector.load %arg2[%get3A_126, %get3A_127] : memref<16x5120xf32, #tpu.memory_space<vmem>>, vector<1x1280xf32>
        %get3A_129 = arith.constant 2 : index
        %get3A_130 = arith.index_cast %mul3A_122 : i32 to index
        %get3A_131 = vector.load %arg2[%get3A_129, %get3A_130] : memref<16x5120xf32, #tpu.memory_space<vmem>>, vector<1x1280xf32>
        %get3A_132 = arith.constant 3 : index
        %get3A_133 = arith.index_cast %mul3A_122 : i32 to index
        %get3A_134 = vector.load %arg2[%get3A_132, %get3A_133] : memref<16x5120xf32, #tpu.memory_space<vmem>>, vector<1x1280xf32>
        %get3A_135 = arith.constant 4 : index
        %get3A_136 = arith.index_cast %mul3A_122 : i32 to index
        %get3A_137 = vector.load %arg2[%get3A_135, %get3A_136] : memref<16x5120xf32, #tpu.memory_space<vmem>>, vector<1x1280xf32>
        %min3A_138 = vector.broadcast %get3A_30 : vector<1280x1xf32> to vector<1280x1280xf32>
        %min3A_139 = vector.broadcast %get3A_131 : vector<1x1280xf32> to vector<1280x1280xf32>
        %min3A_140 = arith.minimumf %min3A_138, %min3A_139 : vector<1280x1280xf32>
        %max3A_141 = vector.broadcast %get3A_24 : vector<1280x1xf32> to vector<1280x1280xf32>
        %max3A_142 = vector.broadcast %get3A_125 : vector<1x1280xf32> to vector<1280x1280xf32>
        %max3A_143 = arith.maximumf %max3A_141, %max3A_142 : vector<1280x1280xf32>
        %sub3A_144 = arith.subf %min3A_140, %max3A_143 : vector<1280x1280xf32>
        %max3A_145 = arith.constant 0.000000e+00 : f32
        %max3A_146 = vector.broadcast %max3A_145 : f32 to vector<1280x1280xf32>
        %max3A_147 = arith.maximumf %sub3A_144, %max3A_146 : vector<1280x1280xf32>
        %min3A_148 = vector.broadcast %get3A_33 : vector<1280x1xf32> to vector<1280x1280xf32>
        %min3A_149 = vector.broadcast %get3A_134 : vector<1x1280xf32> to vector<1280x1280xf32>
        %min3A_150 = arith.minimumf %min3A_148, %min3A_149 : vector<1280x1280xf32>
        %max3A_151 = vector.broadcast %get3A_27 : vector<1280x1xf32> to vector<1280x1280xf32>
        %max3A_152 = vector.broadcast %get3A_128 : vector<1x1280xf32> to vector<1280x1280xf32>
        %max3A_153 = arith.maximumf %max3A_151, %max3A_152 : vector<1280x1280xf32>
        %sub3A_154 = arith.subf %min3A_150, %max3A_153 : vector<1280x1280xf32>
        %max3A_155 = arith.constant 0.000000e+00 : f32
        %max3A_156 = vector.broadcast %max3A_155 : f32 to vector<1280x1280xf32>
        %max3A_157 = arith.maximumf %sub3A_154, %max3A_156 : vector<1280x1280xf32>
        %mul3A_158 = arith.mulf %max3A_147, %max3A_157 : vector<1280x1280xf32>
        %add3A_159 = vector.broadcast %get3A_36 : vector<1280x1xf32> to vector<1280x1280xf32>
        %add3A_160 = vector.broadcast %get3A_137 : vector<1x1280xf32> to vector<1280x1280xf32>
        %add3A_161 = arith.addf %add3A_159, %add3A_160 : vector<1280x1280xf32>
        %gt3A_162 = arith.cmpf ogt, %mul3A_158, %add3A_161 : vector<1280x1280xf32>
        %jit3A_163 = arith.constant 1.000000e+00 : f32
        %jit3A_164 = arith.constant 0.000000e+00 : f32
        %broadcast_in_dim3A_165 = vector.broadcast %jit3A_163 : f32 to vector<1280x1280xf32>
        %broadcast_in_dim3A_166 = vector.broadcast %jit3A_164 : f32 to vector<1280x1280xf32>
        %select_n3A_167 = arith.select %gt3A_162, %broadcast_in_dim3A_165, %broadcast_in_dim3A_166 : vector<1280x1280xi1>, vector<1280x1280xf32>
        %convert_element_type3A_168 = arith.truncf %select_n3A_167 : vector<1280x1280xf32> to vector<1280x1280xbf16>
        %dot_general3A = arith.constant dense<0.000000e+00> : vector<1x1280xf32>
        %dot_general3A_169 = tpu.matmul %convert_element_type3A_93, %convert_element_type3A_168, %dot_general3A {dimension_numbers = #tpu.dot_dimension_numbers<[1], [0], [0], [1], [0, 0, 1, 1], [], []>, transpose_lhs_hint = false} : vector<1x1280xbf16>, vector<1280x1280xbf16>, vector<1x1280xf32> -> vector<1x1280xf32>
        %get3A_170 = arith.constant 0 : index
        %get3A_171 = arith.index_cast %mul3A_122 : i32 to index
        %get3A_172 = vector.load %arg4[%get3A_170, %get3A_171] : memref<1x5120xf32, #tpu.memory_space<vmem>>, vector<1x1280xf32>
        %gt3A_173 = arith.constant 5.000000e-01 : f32
        %gt3A_174 = vector.broadcast %gt3A_173 : f32 to vector<1x1280xf32>
        %gt3A_175 = arith.cmpf ogt, %dot_general3A_169, %gt3A_174 : vector<1x1280xf32>
        %jit3A_176 = arith.constant 1.000000e+00 : f32
        %jit3A_177 = arith.constant 0.000000e+00 : f32
        %broadcast_in_dim3A_178 = vector.broadcast %jit3A_176 : f32 to vector<1x1280xf32>
        %broadcast_in_dim3A_179 = vector.broadcast %jit3A_177 : f32 to vector<1x1280xf32>
        %select_n3A_180 = arith.select %gt3A_175, %broadcast_in_dim3A_178, %broadcast_in_dim3A_179 : vector<1x1280xi1>, vector<1x1280xf32>
        %max3A_181 = arith.maximumf %get3A_172, %select_n3A_180 : vector<1x1280xf32>
        %swap3A_182 = arith.constant 0 : index
        %swap3A_183 = arith.index_cast %mul3A_122 : i32 to index
        %swap3A_184 = vector.load %arg4[%swap3A_182, %swap3A_183] : memref<1x5120xf32, #tpu.memory_space<vmem>>, vector<1x1280xf32>
        tpu.vector_store %arg4[%swap3A_182, %swap3A_183], %max3A_181 {strides = array<i32>} : memref<1x5120xf32, #tpu.memory_space<vmem>>, vector<1x1280xf32>,
      } else {
      }
      %scan3A_102 = arith.constant 1 : i32
      %scan3A_103 = arith.addi %scan3A_94, %scan3A_102 : i32
      %gt3A_104 = arith.cmpi sgt, %scan3A_103, %scan3A_20 : i32
      %convert_element_type3A_105 = arith.extui %gt3A_104 : i1 to i32
      %cond3A_106 = arith.constant 0 : i32
      %cond3A_107 = arith.cmpi ne, %convert_element_type3A_105, %cond3A_106 : i32
      scf.if %cond3A_107 {
        %mul3A_121 = arith.constant 1280 : i32
        %mul3A_122 = arith.muli %scan3A_103, %mul3A_121 : i32
        %get3A_123 = arith.constant 0 : index
        %get3A_124 = arith.index_cast %mul3A_122 : i32 to index
        %get3A_125 = vector.load %arg2[%get3A_123, %get3A_124] : memref<16x5120xf32, #tpu.memory_space<vmem>>, vector<1x1280xf32>
        %get3A_126 = arith.constant 1 : index
        %get3A_127 = arith.index_cast %mul3A_122 : i32 to index
        %get3A_128 = vector.load %arg2[%get3A_126, %get3A_127] : memref<16x5120xf32, #tpu.memory_space<vmem>>, vector<1x1280xf32>
        %get3A_129 = arith.constant 2 : index
        %get3A_130 = arith.index_cast %mul3A_122 : i32 to index
        %get3A_131 = vector.load %arg2[%get3A_129, %get3A_130] : memref<16x5120xf32, #tpu.memory_space<vmem>>, vector<1x1280xf32>
        %get3A_132 = arith.constant 3 : index
        %get3A_133 = arith.index_cast %mul3A_122 : i32 to index
        %get3A_134 = vector.load %arg2[%get3A_132, %get3A_133] : memref<16x5120xf32, #tpu.memory_space<vmem>>, vector<1x1280xf32>
        %get3A_135 = arith.constant 4 : index
        %get3A_136 = arith.index_cast %mul3A_122 : i32 to index
        %get3A_137 = vector.load %arg2[%get3A_135, %get3A_136] : memref<16x5120xf32, #tpu.memory_space<vmem>>, vector<1x1280xf32>
        %min3A_138 = vector.broadcast %get3A_30 : vector<1280x1xf32> to vector<1280x1280xf32>
        %min3A_139 = vector.broadcast %get3A_131 : vector<1x1280xf32> to vector<1280x1280xf32>
        %min3A_140 = arith.minimumf %min3A_138, %min3A_139 : vector<1280x1280xf32>
        %max3A_141 = vector.broadcast %get3A_24 : vector<1280x1xf32> to vector<1280x1280xf32>
        %max3A_142 = vector.broadcast %get3A_125 : vector<1x1280xf32> to vector<1280x1280xf32>
        %max3A_143 = arith.maximumf %max3A_141, %max3A_142 : vector<1280x1280xf32>
        %sub3A_144 = arith.subf %min3A_140, %max3A_143 : vector<1280x1280xf32>
        %max3A_145 = arith.constant 0.000000e+00 : f32
        %max3A_146 = vector.broadcast %max3A_145 : f32 to vector<1280x1280xf32>
        %max3A_147 = arith.maximumf %sub3A_144, %max3A_146 : vector<1280x1280xf32>
        %min3A_148 = vector.broadcast %get3A_33 : vector<1280x1xf32> to vector<1280x1280xf32>
        %min3A_149 = vector.broadcast %get3A_134 : vector<1x1280xf32> to vector<1280x1280xf32>
        %min3A_150 = arith.minimumf %min3A_148, %min3A_149 : vector<1280x1280xf32>
        %max3A_151 = vector.broadcast %get3A_27 : vector<1280x1xf32> to vector<1280x1280xf32>
        %max3A_152 = vector.broadcast %get3A_128 : vector<1x1280xf32> to vector<1280x1280xf32>
        %max3A_153 = arith.maximumf %max3A_151, %max3A_152 : vector<1280x1280xf32>
        %sub3A_154 = arith.subf %min3A_150, %max3A_153 : vector<1280x1280xf32>
        %max3A_155 = arith.constant 0.000000e+00 : f32
        %max3A_156 = vector.broadcast %max3A_155 : f32 to vector<1280x1280xf32>
        %max3A_157 = arith.maximumf %sub3A_154, %max3A_156 : vector<1280x1280xf32>
        %mul3A_158 = arith.mulf %max3A_147, %max3A_157 : vector<1280x1280xf32>
        %add3A_159 = vector.broadcast %get3A_36 : vector<1280x1xf32> to vector<1280x1280xf32>
        %add3A_160 = vector.broadcast %get3A_137 : vector<1x1280xf32> to vector<1280x1280xf32>
        %add3A_161 = arith.addf %add3A_159, %add3A_160 : vector<1280x1280xf32>
        %gt3A_162 = arith.cmpf ogt, %mul3A_158, %add3A_161 : vector<1280x1280xf32>
        %jit3A_163 = arith.constant 1.000000e+00 : f32
        %jit3A_164 = arith.constant 0.000000e+00 : f32
        %broadcast_in_dim3A_165 = vector.broadcast %jit3A_163 : f32 to vector<1280x1280xf32>
        %broadcast_in_dim3A_166 = vector.broadcast %jit3A_164 : f32 to vector<1280x1280xf32>
        %select_n3A_167 = arith.select %gt3A_162, %broadcast_in_dim3A_165, %broadcast_in_dim3A_166 : vector<1280x1280xi1>, vector<1280x1280xf32>
        %convert_element_type3A_168 = arith.truncf %select_n3A_167 : vector<1280x1280xf32> to vector<1280x1280xbf16>
        %dot_general3A = arith.constant dense<0.000000e+00> : vector<1x1280xf32>
        %dot_general3A_169 = tpu.matmul %convert_element_type3A_93, %convert_element_type3A_168, %dot_general3A {dimension_numbers = #tpu.dot_dimension_numbers<[1], [0], [0], [1], [0, 0, 1, 1], [], []>, transpose_lhs_hint = false} : vector<1x1280xbf16>, vector<1280x1280xbf16>, vector<1x1280xf32> -> vector<1x1280xf32>
        %get3A_170 = arith.constant 0 : index
        %get3A_171 = arith.index_cast %mul3A_122 : i32 to index
        %get3A_172 = vector.load %arg4[%get3A_170, %get3A_171] : memref<1x5120xf32, #tpu.memory_space<vmem>>, vector<1x1280xf32>
        %gt3A_173 = arith.constant 5.000000e-01 : f32
        %gt3A_174 = vector.broadcast %gt3A_173 : f32 to vector<1x1280xf32>
        %gt3A_175 = arith.cmpf ogt, %dot_general3A_169, %gt3A_174 : vector<1x1280xf32>
        %jit3A_176 = arith.constant 1.000000e+00 : f32
        %jit3A_177 = arith.constant 0.000000e+00 : f32
        %broadcast_in_dim3A_178 = vector.broadcast %jit3A_176 : f32 to vector<1x1280xf32>
        %broadcast_in_dim3A_179 = vector.broadcast %jit3A_177 : f32 to vector<1x1280xf32>
        %select_n3A_180 = arith.select %gt3A_175, %broadcast_in_dim3A_178, %broadcast_in_dim3A_179 : vector<1x1280xi1>, vector<1x1280xf32>
        %max3A_181 = arith.maximumf %get3A_172, %select_n3A_180 : vector<1x1280xf32>
        %swap3A_182 = arith.constant 0 : index
        %swap3A_183 = arith.index_cast %mul3A_122 : i32 to index
        %swap3A_184 = vector.load %arg4[%swap3A_182, %swap3A_183] : memref<1x5120xf32, #tpu.memory_space<vmem>>, vector<1x1280xf32>
        tpu.vector_store %arg4[%swap3A_182, %swap3A_183], %max3A_181 {strides = array<i32>} : memref<1x5120xf32, #tpu.memory_space<vmem>>, vector<1x1280xf32>,
      } else {
      }
      %scan3A_108 = arith.constant 2 : i32
      %scan3A_109 = arith.addi %scan3A_94, %scan3A_108 : i32
      %gt3A_110 = arith.cmpi sgt, %scan3A_109, %scan3A_20 : i32
      %convert_element_type3A_111 = arith.extui %gt3A_110 : i1 to i32
      %cond3A_112 = arith.constant 0 : i32
      %cond3A_113 = arith.cmpi ne, %convert_element_type3A_111, %cond3A_112 : i32
      scf.if %cond3A_113 {
        %mul3A_121 = arith.constant 1280 : i32
        %mul3A_122 = arith.muli %scan3A_109, %mul3A_121 : i32
        %get3A_123 = arith.constant 0 : index
        %get3A_124 = arith.index_cast %mul3A_122 : i32 to index
        %get3A_125 = vector.load %arg2[%get3A_123, %get3A_124] : memref<16x5120xf32, #tpu.memory_space<vmem>>, vector<1x1280xf32>
        %get3A_126 = arith.constant 1 : index
        %get3A_127 = arith.index_cast %mul3A_122 : i32 to index
        %get3A_128 = vector.load %arg2[%get3A_126, %get3A_127] : memref<16x5120xf32, #tpu.memory_space<vmem>>, vector<1x1280xf32>
        %get3A_129 = arith.constant 2 : index
        %get3A_130 = arith.index_cast %mul3A_122 : i32 to index
        %get3A_131 = vector.load %arg2[%get3A_129, %get3A_130] : memref<16x5120xf32, #tpu.memory_space<vmem>>, vector<1x1280xf32>
        %get3A_132 = arith.constant 3 : index
        %get3A_133 = arith.index_cast %mul3A_122 : i32 to index
        %get3A_134 = vector.load %arg2[%get3A_132, %get3A_133] : memref<16x5120xf32, #tpu.memory_space<vmem>>, vector<1x1280xf32>
        %get3A_135 = arith.constant 4 : index
        %get3A_136 = arith.index_cast %mul3A_122 : i32 to index
        %get3A_137 = vector.load %arg2[%get3A_135, %get3A_136] : memref<16x5120xf32, #tpu.memory_space<vmem>>, vector<1x1280xf32>
        %min3A_138 = vector.broadcast %get3A_30 : vector<1280x1xf32> to vector<1280x1280xf32>
        %min3A_139 = vector.broadcast %get3A_131 : vector<1x1280xf32> to vector<1280x1280xf32>
        %min3A_140 = arith.minimumf %min3A_138, %min3A_139 : vector<1280x1280xf32>
        %max3A_141 = vector.broadcast %get3A_24 : vector<1280x1xf32> to vector<1280x1280xf32>
        %max3A_142 = vector.broadcast %get3A_125 : vector<1x1280xf32> to vector<1280x1280xf32>
        %max3A_143 = arith.maximumf %max3A_141, %max3A_142 : vector<1280x1280xf32>
        %sub3A_144 = arith.subf %min3A_140, %max3A_143 : vector<1280x1280xf32>
        %max3A_145 = arith.constant 0.000000e+00 : f32
        %max3A_146 = vector.broadcast %max3A_145 : f32 to vector<1280x1280xf32>
        %max3A_147 = arith.maximumf %sub3A_144, %max3A_146 : vector<1280x1280xf32>
        %min3A_148 = vector.broadcast %get3A_33 : vector<1280x1xf32> to vector<1280x1280xf32>
        %min3A_149 = vector.broadcast %get3A_134 : vector<1x1280xf32> to vector<1280x1280xf32>
        %min3A_150 = arith.minimumf %min3A_148, %min3A_149 : vector<1280x1280xf32>
        %max3A_151 = vector.broadcast %get3A_27 : vector<1280x1xf32> to vector<1280x1280xf32>
        %max3A_152 = vector.broadcast %get3A_128 : vector<1x1280xf32> to vector<1280x1280xf32>
        %max3A_153 = arith.maximumf %max3A_151, %max3A_152 : vector<1280x1280xf32>
        %sub3A_154 = arith.subf %min3A_150, %max3A_153 : vector<1280x1280xf32>
        %max3A_155 = arith.constant 0.000000e+00 : f32
        %max3A_156 = vector.broadcast %max3A_155 : f32 to vector<1280x1280xf32>
        %max3A_157 = arith.maximumf %sub3A_154, %max3A_156 : vector<1280x1280xf32>
        %mul3A_158 = arith.mulf %max3A_147, %max3A_157 : vector<1280x1280xf32>
        %add3A_159 = vector.broadcast %get3A_36 : vector<1280x1xf32> to vector<1280x1280xf32>
        %add3A_160 = vector.broadcast %get3A_137 : vector<1x1280xf32> to vector<1280x1280xf32>
        %add3A_161 = arith.addf %add3A_159, %add3A_160 : vector<1280x1280xf32>
        %gt3A_162 = arith.cmpf ogt, %mul3A_158, %add3A_161 : vector<1280x1280xf32>
        %jit3A_163 = arith.constant 1.000000e+00 : f32
        %jit3A_164 = arith.constant 0.000000e+00 : f32
        %broadcast_in_dim3A_165 = vector.broadcast %jit3A_163 : f32 to vector<1280x1280xf32>
        %broadcast_in_dim3A_166 = vector.broadcast %jit3A_164 : f32 to vector<1280x1280xf32>
        %select_n3A_167 = arith.select %gt3A_162, %broadcast_in_dim3A_165, %broadcast_in_dim3A_166 : vector<1280x1280xi1>, vector<1280x1280xf32>
        %convert_element_type3A_168 = arith.truncf %select_n3A_167 : vector<1280x1280xf32> to vector<1280x1280xbf16>
        %dot_general3A = arith.constant dense<0.000000e+00> : vector<1x1280xf32>
        %dot_general3A_169 = tpu.matmul %convert_element_type3A_93, %convert_element_type3A_168, %dot_general3A {dimension_numbers = #tpu.dot_dimension_numbers<[1], [0], [0], [1], [0, 0, 1, 1], [], []>, transpose_lhs_hint = false} : vector<1x1280xbf16>, vector<1280x1280xbf16>, vector<1x1280xf32> -> vector<1x1280xf32>
        %get3A_170 = arith.constant 0 : index
        %get3A_171 = arith.index_cast %mul3A_122 : i32 to index
        %get3A_172 = vector.load %arg4[%get3A_170, %get3A_171] : memref<1x5120xf32, #tpu.memory_space<vmem>>, vector<1x1280xf32>
        %gt3A_173 = arith.constant 5.000000e-01 : f32
        %gt3A_174 = vector.broadcast %gt3A_173 : f32 to vector<1x1280xf32>
        %gt3A_175 = arith.cmpf ogt, %dot_general3A_169, %gt3A_174 : vector<1x1280xf32>
        %jit3A_176 = arith.constant 1.000000e+00 : f32
        %jit3A_177 = arith.constant 0.000000e+00 : f32
        %broadcast_in_dim3A_178 = vector.broadcast %jit3A_176 : f32 to vector<1x1280xf32>
        %broadcast_in_dim3A_179 = vector.broadcast %jit3A_177 : f32 to vector<1x1280xf32>
        %select_n3A_180 = arith.select %gt3A_175, %broadcast_in_dim3A_178, %broadcast_in_dim3A_179 : vector<1x1280xi1>, vector<1x1280xf32>
        %max3A_181 = arith.maximumf %get3A_172, %select_n3A_180 : vector<1x1280xf32>
        %swap3A_182 = arith.constant 0 : index
        %swap3A_183 = arith.index_cast %mul3A_122 : i32 to index
        %swap3A_184 = vector.load %arg4[%swap3A_182, %swap3A_183] : memref<1x5120xf32, #tpu.memory_space<vmem>>, vector<1x1280xf32>
        tpu.vector_store %arg4[%swap3A_182, %swap3A_183], %max3A_181 {strides = array<i32>} : memref<1x5120xf32, #tpu.memory_space<vmem>>, vector<1x1280xf32>,
      } else {
      }
      %scan3A_114 = arith.constant 3 : i32
      %scan3A_115 = arith.addi %scan3A_94, %scan3A_114 : i32
      %gt3A_116 = arith.cmpi sgt, %scan3A_115, %scan3A_20 : i32
      %convert_element_type3A_117 = arith.extui %gt3A_116 : i1 to i32
      %cond3A_118 = arith.constant 0 : i32
      %cond3A_119 = arith.cmpi ne, %convert_element_type3A_117, %cond3A_118 : i32
      scf.if %cond3A_119 {
        %mul3A_121 = arith.constant 1280 : i32
        %mul3A_122 = arith.muli %scan3A_115, %mul3A_121 : i32
        %get3A_123 = arith.constant 0 : index
        %get3A_124 = arith.index_cast %mul3A_122 : i32 to index
        %get3A_125 = vector.load %arg2[%get3A_123, %get3A_124] : memref<16x5120xf32, #tpu.memory_space<vmem>>, vector<1x1280xf32>
        %get3A_126 = arith.constant 1 : index
        %get3A_127 = arith.index_cast %mul3A_122 : i32 to index
        %get3A_128 = vector.load %arg2[%get3A_126, %get3A_127] : memref<16x5120xf32, #tpu.memory_space<vmem>>, vector<1x1280xf32>
        %get3A_129 = arith.constant 2 : index
        %get3A_130 = arith.index_cast %mul3A_122 : i32 to index
        %get3A_131 = vector.load %arg2[%get3A_129, %get3A_130] : memref<16x5120xf32, #tpu.memory_space<vmem>>, vector<1x1280xf32>
        %get3A_132 = arith.constant 3 : index
        %get3A_133 = arith.index_cast %mul3A_122 : i32 to index
        %get3A_134 = vector.load %arg2[%get3A_132, %get3A_133] : memref<16x5120xf32, #tpu.memory_space<vmem>>, vector<1x1280xf32>
        %get3A_135 = arith.constant 4 : index
        %get3A_136 = arith.index_cast %mul3A_122 : i32 to index
        %get3A_137 = vector.load %arg2[%get3A_135, %get3A_136] : memref<16x5120xf32, #tpu.memory_space<vmem>>, vector<1x1280xf32>
        %min3A_138 = vector.broadcast %get3A_30 : vector<1280x1xf32> to vector<1280x1280xf32>
        %min3A_139 = vector.broadcast %get3A_131 : vector<1x1280xf32> to vector<1280x1280xf32>
        %min3A_140 = arith.minimumf %min3A_138, %min3A_139 : vector<1280x1280xf32>
        %max3A_141 = vector.broadcast %get3A_24 : vector<1280x1xf32> to vector<1280x1280xf32>
        %max3A_142 = vector.broadcast %get3A_125 : vector<1x1280xf32> to vector<1280x1280xf32>
        %max3A_143 = arith.maximumf %max3A_141, %max3A_142 : vector<1280x1280xf32>
        %sub3A_144 = arith.subf %min3A_140, %max3A_143 : vector<1280x1280xf32>
        %max3A_145 = arith.constant 0.000000e+00 : f32
        %max3A_146 = vector.broadcast %max3A_145 : f32 to vector<1280x1280xf32>
        %max3A_147 = arith.maximumf %sub3A_144, %max3A_146 : vector<1280x1280xf32>
        %min3A_148 = vector.broadcast %get3A_33 : vector<1280x1xf32> to vector<1280x1280xf32>
        %min3A_149 = vector.broadcast %get3A_134 : vector<1x1280xf32> to vector<1280x1280xf32>
        %min3A_150 = arith.minimumf %min3A_148, %min3A_149 : vector<1280x1280xf32>
        %max3A_151 = vector.broadcast %get3A_27 : vector<1280x1xf32> to vector<1280x1280xf32>
        %max3A_152 = vector.broadcast %get3A_128 : vector<1x1280xf32> to vector<1280x1280xf32>
        %max3A_153 = arith.maximumf %max3A_151, %max3A_152 : vector<1280x1280xf32>
        %sub3A_154 = arith.subf %min3A_150, %max3A_153 : vector<1280x1280xf32>
        %max3A_155 = arith.constant 0.000000e+00 : f32
        %max3A_156 = vector.broadcast %max3A_155 : f32 to vector<1280x1280xf32>
        %max3A_157 = arith.maximumf %sub3A_154, %max3A_156 : vector<1280x1280xf32>
        %mul3A_158 = arith.mulf %max3A_147, %max3A_157 : vector<1280x1280xf32>
        %add3A_159 = vector.broadcast %get3A_36 : vector<1280x1xf32> to vector<1280x1280xf32>
        %add3A_160 = vector.broadcast %get3A_137 : vector<1x1280xf32> to vector<1280x1280xf32>
        %add3A_161 = arith.addf %add3A_159, %add3A_160 : vector<1280x1280xf32>
        %gt3A_162 = arith.cmpf ogt, %mul3A_158, %add3A_161 : vector<1280x1280xf32>
        %jit3A_163 = arith.constant 1.000000e+00 : f32
        %jit3A_164 = arith.constant 0.000000e+00 : f32
        %broadcast_in_dim3A_165 = vector.broadcast %jit3A_163 : f32 to vector<1280x1280xf32>
        %broadcast_in_dim3A_166 = vector.broadcast %jit3A_164 : f32 to vector<1280x1280xf32>
        %select_n3A_167 = arith.select %gt3A_162, %broadcast_in_dim3A_165, %broadcast_in_dim3A_166 : vector<1280x1280xi1>, vector<1280x1280xf32>
        %convert_element_type3A_168 = arith.truncf %select_n3A_167 : vector<1280x1280xf32> to vector<1280x1280xbf16>
        %dot_general3A = arith.constant dense<0.000000e+00> : vector<1x1280xf32>
        %dot_general3A_169 = tpu.matmul %convert_element_type3A_93, %convert_element_type3A_168, %dot_general3A {dimension_numbers = #tpu.dot_dimension_numbers<[1], [0], [0], [1], [0, 0, 1, 1], [], []>, transpose_lhs_hint = false} : vector<1x1280xbf16>, vector<1280x1280xbf16>, vector<1x1280xf32> -> vector<1x1280xf32>
        %get3A_170 = arith.constant 0 : index
        %get3A_171 = arith.index_cast %mul3A_122 : i32 to index
        %get3A_172 = vector.load %arg4[%get3A_170, %get3A_171] : memref<1x5120xf32, #tpu.memory_space<vmem>>, vector<1x1280xf32>
        %gt3A_173 = arith.constant 5.000000e-01 : f32
        %gt3A_174 = vector.broadcast %gt3A_173 : f32 to vector<1x1280xf32>
        %gt3A_175 = arith.cmpf ogt, %dot_general3A_169, %gt3A_174 : vector<1x1280xf32>
        %jit3A_176 = arith.constant 1.000000e+00 : f32
        %jit3A_177 = arith.constant 0.000000e+00 : f32
        %broadcast_in_dim3A_178 = vector.broadcast %jit3A_176 : f32 to vector<1x1280xf32>
        %broadcast_in_dim3A_179 = vector.broadcast %jit3A_177 : f32 to vector<1x1280xf32>
        %select_n3A_180 = arith.select %gt3A_175, %broadcast_in_dim3A_178, %broadcast_in_dim3A_179 : vector<1x1280xi1>, vector<1x1280xf32>
        %max3A_181 = arith.maximumf %get3A_172, %select_n3A_180 : vector<1x1280xf32>
        %swap3A_182 = arith.constant 0 : index
        %swap3A_183 = arith.index_cast %mul3A_122 : i32 to index
        %swap3A_184 = vector.load %arg4[%swap3A_182, %swap3A_183] : memref<1x5120xf32, #tpu.memory_space<vmem>>, vector<1x1280xf32>
        tpu.vector_store %arg4[%swap3A_182, %swap3A_183], %max3A_181 {strides = array<i32>} : memref<1x5120xf32, #tpu.memory_space<vmem>>, vector<1x1280xf32>,
      } else {
      }
      %scan3A_120 = arith.constant 4 : i32
    }
    %scan3A_12 = arith.constant 4 : i32
    %get3A = arith.constant 0 : index
    %get3A_13 = arith.constant 0 : index
    %get3A_14 = vector.load %arg4[%get3A, %get3A_13] : memref<1x5120xf32, #tpu.memory_space<vmem>>, vector<1x5120xf32>
    %sub3A = arith.constant 1.000000e+00 : f32
    %sub3A_15 = vector.broadcast %sub3A : f32 to vector<1x5120xf32>
    %sub3A_16 = arith.subf %sub3A_15, %get3A_14 : vector<1x5120xf32>
    %swap3A_17 = arith.constant 0 : index
    %swap3A_18 = arith.constant 0 : index
    %swap3A_19 = vector.load %arg1[%swap3A_17, %swap3A_18] : memref<1x5120xf32, #tpu.memory_space<vmem>>, vector<1x5120xf32>
    tpu.vector_store %arg1[%swap3A_17, %swap3A_18], %sub3A_16 {strides = array<i32>} : memref<1x5120xf32, #tpu.memory_space<vmem>>, vector<1x5120xf32>,
    return
  }
}

module attributes {stable_mosaic.version = 14 : i64} {
  func.func @_assemble_kernel(%arg0: memref<5000x4xf32, #tpu.memory_space<vmem>>, %arg1: memref<1x5000xf32, #tpu.memory_space<vmem>>, %arg2: memref<5000x4xf32, #tpu.memory_space<vmem>>, %arg3: memref<5000x1xf32, #tpu.memory_space<vmem>>, %arg4: memref<5000x64xf32, #tpu.memory_space<vmem>>, %arg5: memref<1x5120xf32, #tpu.memory_space<vmem>>, %arg6: memref<5000x74xf32, #tpu.memory_space<vmem>>) attributes {dimension_semantics = [], scalar_prefetch = 0 : i64, scratch_operands = 0 : i64, tpu.core_type = #tpu.core_type<tc>} {
    %get3A = arith.constant 0 : index
    %get3A_0 = arith.constant 0 : index
    %get3A_1 = vector.load %arg5[%get3A, %get3A_0] : memref<1x5120xf32, #tpu.memory_space<vmem>>, vector<1x5000xf32>
    %transpose3A = tpu.transpose %get3A_1, [1, 0] : vector<1x5000xf32> -> vector<5000x1xf32>
    %get3A_2 = arith.constant 0 : index
    %get3A_3 = arith.constant 0 : index
    %get3A_4 = vector.load %arg0[%get3A_2, %get3A_3] : memref<5000x4xf32, #tpu.memory_space<vmem>>, vector<5000x4xf32>
    %mul3A = vector.broadcast %transpose3A : vector<5000x1xf32> to vector<5000x4xf32>
    %mul3A_5 = arith.mulf %get3A_4, %mul3A : vector<5000x4xf32>
    %swap3A = arith.constant 0 : index
    %swap3A_6 = arith.constant 0 : index
    %swap3A_7 = vector.load %arg6[%swap3A, %swap3A_6] : memref<5000x74xf32, #tpu.memory_space<vmem>>, vector<5000x4xf32>
    tpu.vector_store %arg6[%swap3A, %swap3A_6], %mul3A_5 {strides = array<i32>} : memref<5000x74xf32, #tpu.memory_space<vmem>>, vector<5000x4xf32>,
    %get3A_8 = arith.constant 0 : index
    %get3A_9 = arith.constant 0 : index
    %get3A_10 = vector.load %arg1[%get3A_8, %get3A_9] : memref<1x5000xf32, #tpu.memory_space<vmem>>, vector<1x5000xf32>
    %transpose3A_11 = tpu.transpose %get3A_10, [1, 0] : vector<1x5000xf32> -> vector<5000x1xf32>
    %mul3A_12 = arith.mulf %transpose3A_11, %transpose3A : vector<5000x1xf32>
    %swap3A_13 = arith.constant 0 : index
    %swap3A_14 = arith.constant 4 : index
    %swap3A_15 = vector.load %arg6[%swap3A_13, %swap3A_14] : memref<5000x74xf32, #tpu.memory_space<vmem>>, vector<5000x1xf32>
    tpu.vector_store %arg6[%swap3A_13, %swap3A_14], %mul3A_12 {strides = array<i32>} : memref<5000x74xf32, #tpu.memory_space<vmem>>, vector<5000x1xf32>,
    %get3A_16 = arith.constant 0 : index
    %get3A_17 = arith.constant 0 : index
    %get3A_18 = vector.load %arg2[%get3A_16, %get3A_17] : memref<5000x4xf32, #tpu.memory_space<vmem>>, vector<5000x4xf32>
    %mul3A_19 = vector.broadcast %transpose3A : vector<5000x1xf32> to vector<5000x4xf32>
    %mul3A_20 = arith.mulf %get3A_18, %mul3A_19 : vector<5000x4xf32>
    %swap3A_21 = arith.constant 0 : index
    %swap3A_22 = arith.constant 5 : index
    %swap3A_23 = vector.load %arg6[%swap3A_21, %swap3A_22] : memref<5000x74xf32, #tpu.memory_space<vmem>>, vector<5000x4xf32>
    tpu.vector_store %arg6[%swap3A_21, %swap3A_22], %mul3A_20 {strides = array<i32>} : memref<5000x74xf32, #tpu.memory_space<vmem>>, vector<5000x4xf32>,
    %get3A_24 = arith.constant 0 : index
    %get3A_25 = arith.constant 0 : index
    %get3A_26 = vector.load %arg3[%get3A_24, %get3A_25] : memref<5000x1xf32, #tpu.memory_space<vmem>>, vector<5000x1xf32>
    %mul3A_27 = arith.mulf %get3A_26, %transpose3A : vector<5000x1xf32>
    %swap3A_28 = arith.constant 0 : index
    %swap3A_29 = arith.constant 9 : index
    %swap3A_30 = vector.load %arg6[%swap3A_28, %swap3A_29] : memref<5000x74xf32, #tpu.memory_space<vmem>>, vector<5000x1xf32>
    tpu.vector_store %arg6[%swap3A_28, %swap3A_29], %mul3A_27 {strides = array<i32>} : memref<5000x74xf32, #tpu.memory_space<vmem>>, vector<5000x1xf32>,
    %get3A_31 = arith.constant 0 : index
    %get3A_32 = arith.constant 0 : index
    %get3A_33 = vector.load %arg4[%get3A_31, %get3A_32] : memref<5000x64xf32, #tpu.memory_space<vmem>>, vector<5000x64xf32>
    %mul3A_34 = vector.broadcast %transpose3A : vector<5000x1xf32> to vector<5000x64xf32>
    %mul3A_35 = arith.mulf %get3A_33, %mul3A_34 : vector<5000x64xf32>
    %swap3A_36 = arith.constant 0 : index
    %swap3A_37 = arith.constant 10 : index
    %swap3A_38 = vector.load %arg6[%swap3A_36, %swap3A_37] : memref<5000x74xf32, #tpu.memory_space<vmem>>, vector<5000x64xf32>
    tpu.vector_store %arg6[%swap3A_36, %swap3A_37], %mul3A_35 {strides = array<i32>} : memref<5000x74xf32, #tpu.memory_space<vmem>>, vector<5000x64xf32>,
    return
  }
}

</mosaic_0001>

<sc_bundles>
// kernel: kernel.6.cloned.1.call-start
scs
__scs_entry_jumppad:
0x0: {  	(pc) =	sbr.rel $0x88, $3  }
0x1: {  	(tag) =	ssettag $0x0;
	lr =	simm.s32 $0x1  }
0x2: {  	[smem:$0x3F9D] =	sst lr;
	_ =	strace $0xD0000000  }
0x3: {  	_ = 	snop  }
0x4: {  	_ = 	snop  }
0x5: {  	_ = 	snop  }
0x6: {  	_ = 	snop  }
0x7: {  	_ = 	snop  }
__scs_overlays_trampoline_lowered:
0x8: {  	[smem:$0x3FAC] =	sst s0  }
0x9: {  	[smem:$0x3FAD] =	sst s1  }
0xa: {  	[smem:$0x3FAE] =	sst s2  }
0xb: {  	[smem:$0x3FAF] =	sst s3  }
0xc: {  	[smem:$0x3FB0] =	sst s4  }
0xd: {  	[smem:$0x3FB1] =	sst s5  }
0xe: {  	[smem:$0x3FB2] =	sst s6  }
0xf: {  	[smem:$0x3FB3] =	sst s7  }
0x10: {  	[smem:$0x3FB4] =	sst s8  }
0x11: {  	[smem:$0x3FB5] =	sst s9;
	s0 =	simm.s32 @!p0 $0x0  }
0x12: {  	s1 =	sld [smem:$0x3F9B];
	s0 =	simm.s32 @p0 $0x1  }
0x13: {  	[smem:$0x3FB6] =	sst s0;
	s0 =	simm.s32 @!p1 $0x0  }
0x14: {  	s2 =	sld [smem:$0x3F9A];
	s0 =	simm.s32 @p1 $0x1  }
0x15: {  	[smem:$0x3FB7] =	sst s0;
	s0 =	simm.s32 @!p2 $0x0  }
0x16: {  	s3 =	sld [smem:$0x3FDB];
	s0 =	simm.s32 @p2 $0x1  }
0x17: {  	s4 =	simm.s32 $0x1BF5;
	[smem:$0x3FB9] =	sst s0  }
0x18: {  	s0 =	sld [smem:$0x3F9C];
	_ =	swait.ge [sflag:s4], $0x0  }
0x19: {  	s7 =	sld [smem:$0x3F9D]  }
0x1a: {  	s8 =	sadd.s32 $0xFFFFE003, lr  }
0x1b: {  	s9 =	sadd.s32 $0xFFFFFEF7, lr;
	s5 =	simm.s32 $0xFFFFFFFF;
	p2 =	slt.u32 s8, $0xFFFFF086  }
0x1c: {  	p1 =	slt.u32 s9, $0xF7A;
	s5 =	simm.s32 @!p2 $0x0  }
0x1d: {  	s5 =	simm.s32 @p1 $0x1;
	p0 =	seq.s32 s7, s2  }
0x1e: {  	s7 =	smul.u32 @!p0 $0xF7A, s2;
	p2 =	seq.s32 @!p0 s5, $0x0  }
0x1f: {  	s9 =	smul.u32 $0xF7A, s1;
	s8 =	simm.s32 @!p0 $0x1BF5;
	p2 =	por !p2, p0  }
0x20: {  	[sflag:s8] =	ssyncset.s32 @!p0 $0xFFFFF086;
	s6 =	sadd.s32 @!p0 s3, s7;
	s7 =	simm.s32 @!p0 $0x108  }
0x21: {  	s3 =	sadd.s32 s3, s9;
	s6 =	sadd.s32 @!p0 $0x88, s6;
	s7 =	simm.s32 @p2 $0x1082  }
0x22: {  	[simem:s7], [sflag:s8] =	dma.local @!p0 [hbm:s6], $0xF7A  }
0x23: {  	s9 =	sor.u32 $0xD0000000, s2;
	s6 =	simm.s32 $0x108;
	_ =	swait.ge @!p0 [sflag:s8], $0x0  }
0x24: {  	s3 =	sadd.s32 $0x88, s3;
	s6 =	simm.s32 @!p1 $0x1082;
	[sflag:s4] =	ssyncset.s32 $0xFFFFF086  }
0x25: {  	[simem:s6], [sflag:s4] =	dma.local [hbm:s3], $0xF7A  }
0x26: {  	[smem:$0x3F9D] =	sst s1;
	(tag) =	ssettag s2;
	_ =	strace s9  }
0x27: {  	s1 =	sld [smem:$0x3FAD]  }
0x28: {  	s2 =	sld [smem:$0x3FAE]  }
0x29: {  	s4 =	sld [smem:$0x3FB0]  }
0x2a: {  	p0 =	seq.s32 s5, $0x0;
	s5 =	sld [smem:$0x3FB1]  }
0x2b: {  	s6 =	sld [smem:$0x3FB2]  }
0x2c: {  	s7 =	sld [smem:$0x3FB3]  }
0x2d: {  	s3 =	simm.s32 $0x108;
	s8 =	sld [smem:$0x3FB4]  }
0x2e: {  	s3 =	simm.s32 @!p0 $0x1082;
	s9 =	sld [smem:$0x3FB5]  }
0x2f: {  	lr =	sadd.s32 s0, s3;
	s0 =	sld [smem:$0x3FAC]  }
0x30: {  	s3 =	sld [smem:$0x3FAF]  }
0x31: {  	[smem:$0x3FB8] =	sst s10  }
0x32: {  	s10 =	sld [smem:$0x3FB6];
	_ =	sdelay $0x3  }
0x33: {  	p0 =	seq.s32 s10, $0x1;
	s10 =	sld [smem:$0x3FB8];
	_ =	sdelay $0x3  }
0x34: {  	[smem:$0x3FB8] =	sst s10  }
0x35: {  	s10 =	sld [smem:$0x3FB7];
	_ =	sdelay $0x3  }
0x36: {  	p1 =	seq.s32 s10, $0x1;
	s10 =	sld [smem:$0x3FB8];
	_ =	sdelay $0x3  }
0x37: {  	[smem:$0x3FB8] =	sst s10  }
0x38: {  	s10 =	sld [smem:$0x3FB9]  }
0x39: {  	_ = 	snop;
	(pc) =	sbr.ind lr, $3  }
0x3a: {  	_ = 	snop  }
0x3b: {  	_ = 	snop  }
0x3c: {  	p2 =	seq.s32 s10, $0x1;
	s10 =	sld [smem:$0x3FB8]  }
0x3d: {  	_ =	shalt  }
0x3e: {  	_ =	shalt  }
0x3f: {  	_ =	shalt  }
0x40: {  	_ =	shalt  }
0x41: {  	_ =	shalt  }
0x42: {  	_ =	shalt  }
0x43: {  	_ =	shalt  }
0x44: {  	_ =	shalt  }
0x45: {  	_ =	shalt  }
0x46: {  	_ =	shalt  }
0x47: {  	_ =	shalt  }
0x48: {  	_ =	shalt  }
0x49: {  	_ =	shalt  }
0x4a: {  	_ =	shalt  }
0x4b: {  	_ =	shalt  }
0x4c: {  	_ =	shalt  }
0x4d: {  	_ =	shalt  }
0x4e: {  	_ =	shalt  }
0x4f: {  	_ =	shalt  }
0x50: {  	_ =	shalt  }
0x51: {  	_ =	shalt  }
0x52: {  	_ =	shalt  }
0x53: {  	_ =	shalt  }
0x54: {  	_ =	shalt  }
0x55: {  	_ =	shalt  }
0x56: {  	_ =	shalt  }
0x57: {  	_ =	shalt  }
0x58: {  	_ =	shalt  }
0x59: {  	_ =	shalt  }
0x5a: {  	_ =	shalt  }
0x5b: {  	_ =	shalt  }
0x5c: {  	_ =	shalt  }
0x5d: {  	_ =	shalt  }
0x5e: {  	_ =	shalt  }
0x5f: {  	_ =	shalt  }
0x60: {  	_ =	shalt  }
0x61: {  	_ =	shalt  }
0x62: {  	_ =	shalt  }
0x63: {  	_ =	shalt  }
0x64: {  	_ =	shalt  }
0x65: {  	_ =	shalt  }
0x66: {  	_ =	shalt  }
0x67: {  	_ =	shalt  }
0x68: {  	_ =	shalt  }
0x69: {  	_ =	shalt  }
0x6a: {  	_ =	shalt  }
0x6b: {  	_ =	shalt  }
0x6c: {  	_ =	shalt  }
0x6d: {  	_ =	shalt  }
0x6e: {  	_ =	shalt  }
0x6f: {  	_ =	shalt  }
0x70: {  	_ =	shalt  }
0x71: {  	_ =	shalt  }
0x72: {  	_ =	shalt  }
0x73: {  	_ =	shalt  }
0x74: {  	_ =	shalt  }
0x75: {  	_ =	shalt  }
0x76: {  	_ =	shalt  }
0x77: {  	_ =	shalt  }
0x78: {  	_ =	shalt  }
0x79: {  	_ =	shalt  }
0x7a: {  	_ =	shalt  }
0x7b: {  	_ =	shalt  }
0x7c: {  	_ =	shalt  }
0x7d: {  	_ =	shalt  }
0x7e: {  	_ =	shalt  }
0x7f: {  	_ =	shalt  }
0x80: {  	_ =	shalt  }
0x81: {  	_ =	shalt  }
0x82: {  	_ =	shalt  }
0x83: {  	_ =	shalt  }
0x84: {  	_ =	shalt  }
0x85: {  	_ =	shalt  }
0x86: {  	_ =	shalt  }
0x87: {  	_ =	shalt  }
.Lfunc_end0:
.L_simem_size_0:
called_computation_lowered:
.L_overlay_start_0:
0x88: {  	s2 =	sld [smem:$0x3FD9]  }
0x89: {  	s3 =	sld [smem:$0x3FFE];
	_ =	sdelay $0x1  }
0x8a: {  	s1 =	srdreg.scid  }
0x8b: {  	s0 =	sand.u32 $0x1, s1  }
0x8c: {  	s17 =	sshll.u32 s0, $0xA;
	s2 =	sadd.s32 s3, s2  }
0x8d: {  	s2 =	sadd.s32 s2, s17  }
0x8e: {  	[smem:$0x3FC4] =	sst s2  }
0x8f: {  	_ = 	snop  }
0x90: {  	s2 =	sld [smem:$0x3FD0];
	(tm) =	ssettm $0x1  }
0x91: {  	s18 =	sld [smem:$0x3FFB];
	_ =	sdelay $0x3  }
0x92: {  	_ =	strace s18  }
0x93: {  	s3 =	sld [smem:$0x3FFC];
	_ =	sdelay $0x3  }
0x94: {  	_ =	strace s3  }
0x95: {  	s3 =	sld [smem:$0x3FFD];
	_ =	sdelay $0x3  }
0x96: {  	_ =	strace s3  }
0x97: {  	_ =	strace $0x8FFFFFFF  }
0x98: {  	s19 =	sld [smem:$0x3FDB];
	_ =	sdelay $0x1  }
0x99: {  	s4 =	simm.s32 $_scs_section_size  }
0x9a: {  	s5 =	simm.s32 $_size__tile_overlayer_lowered;
	s6 =	simm.s32 $_tile_overlayer_lowered  }
0x9b: {  	s22 =	simm.s32 $0x1BFF;
	s21 =	sshll.u32 s6, $0x1;
	s3 =	sadd.s32 s4, s19  }
0x9c: {  	s7 =	simm.s32 $0x0;
	s20 =	sshll.u32 s5, $0x1;
	s5 =	sadd.s32 s21, s3  }
0x9d: {  	[timem:s7], [sflag:s22] =	dma.local [hbm:s5], s20  }
0x9e: {  	_ =	swait.ge [sflag:s22], s20  }
0x9f: {  	s4 =	ssub.s32 $0x0, s20;
	[sflag:s22] =	ssyncset.done $0x0  }
0xa0: {  	[sflag:s22] =	ssyncadd.s32 s4;
	_ =	sdelay $0x1  }
0xa1: {  	s23 =	simm.s32 $0x1B8B  }
0xa2: {  	_ =	swait.ge [sflag:s23], $0x1  }
0xa3: {  	[sflag:s23] =	ssyncset.done $0x0  }
0xa4: {  	s25 =	simm.s32 $0x1B8E;
	s24 =	sld [smem:$0x3FFE];
	[sflag:s23] =	ssyncadd.s32 $0xFFFFFFFF  }
0xa5: {  	s26 =	simm.s32 $execute0_lowered;
	[smem:$0x3FD2] =	sst s25  }
0xa6: {  	s5 =	sshll.u32 s26, $0x1;
	_ =	strace $0x80000046;
	[dreg:$0x1] =	wrdreg $0xFFFFFFFF  }
0xa7: {  	s28 =	simm.s32 $_size_execute0_lowered;
	s3 =	sadd.s32 s3, s5;
	[dreg:$0x0] =	wrdreg $0x0  }
0xa8: {  	s5 =	sshll.u32 s28, $0x1;
	[dreg:$0x2] =	wrdreg s3  }
0xa9: {  	[dreg:$0x3] =	wrdreg s5  }
0xaa: {  	[dreg:$0x4] =	wrdreg $0xC0  }
0xab: {  	_ =	task [dreg:s7], $0x5FFFF  }
0xac: {  	[dreg:$0x1] =	wrdreg $0xFFFFFFFF  }
0xad: {  	[dreg:$0x0] =	wrdreg $0x60  }
0xae: {  	[dreg:$0x2] =	wrdreg s2  }
0xaf: {  	[dreg:$0x3] =	wrdreg s24  }
0xb0: {  	[dreg:$0x4] =	wrdreg $0x9  }
0xb1: {  	_ =	task.clear_ibuf [dreg:s7], $0x5FFFF;
	_ =	strace $0x90000046  }
0xb2: {  	s29 =	simm.s32 $0x9;
	_ =	strace $0x80000048  }
0xb3: {  	_ =	swait.ge [sflag:s29], $0x1  }
0xb4: {  	[sflag:s29] =	ssyncadd.s32 $0xFFFFFFFF  }
0xb5: {  	_ =	strace $0x90000048  }
0xb6: {  	_ =	sfence  }
0xb7: {  	s30 =	sld [smem:$0x0];
	_ =	sdelay $0x2  }
0xb8: {  	s31 =	sshll.u32 s1, $0xD;
	s1 =	sshrl.u32 s1, $0x2  }
0xb9: {  	s3 =	sand.u32 $0x4000, s31;
	s1 =	sadd.s32 s1, s30  }
0xba: {  	s0 =	sor.u32 s3, s0;
	s1 =	sshll.u32 s1, $0x11  }
0xbb: {  	s0 =	sor.u32 s1, s0  }
0xbc: {  	s0 =	sadd.s32 $0x8F2B, s0  }
0xbd: {  	[sflag:s0] =	ssyncadd.remote.s32 $0x1  }
0xbe: {  	_ =	sfence.sel $0xFFFF  }
0xbf: {  	[dreg:$0x0] =	wrdreg $0xFFFFFFFF;
	(pc) =	sbr.abs _section_cstart, $3  }
0xc0: {  	[dreg:$0x1] =	wrdreg $0xFFFFFFFF  }
0xc1: {  	_ =	task.clear_ibuf [dreg:s7], $0x2FFFF;
	_ =	strace $0x9FFFFFFF  }
0xc2: {  	(tm) =	ssettm $0x7FFFFFFF  }
0xc3: {  	_ =	shalt  }
tec
execute0_lowered:
.L_overlay_start_1:
0x0: {  	(tag) =	ssettag $0x1  }
0x1: {  	s1 =	srdreg.scid;
	s0 =	stileid.u32  }
0x2: {  	s2 =	rddreg [dreg:$0x0];
	s6 =	sand.u32 $0x1, s1;
	s30 =	sshll.u32 s0, $0x1  }
0x3: {  	s8 =	rddreg [dreg:$0x1];
	s7 =	sor.u32 s6, s30  }
0x4: {  	s3 =	simm.s32 $0x0;
	s1 =	rddreg [dreg:$0x2];
	s4 =	smul.u32 $0x14, s7  }
0x5: {  	[smem:$0x7FF] =	sst s3  }
0x6: {  	_ =	strace $0x80000047;
	s10 =	ssub.s32 $0x2, s6;
	s4 =	sadd.s32 s4, s8  }
0x7: {  	s6 =	simm.s32 $0xA0;
	s5 =	sadd.s32 $0x400, s4;
	s4 =	simm.s32 $0x2  }
0x8: {  	[tilespmem:s3], [sflag:$0x2] =	stream.linear.gather [hbm4b:s5+s3], $0xA0, $0x38;
	[tilespmem:$0xAA0] =	vst v63  }
0x9: {  	s9 =	smul.u32 $0x140, s7;
	s11 =	sshrl.u32 s10, $0x1;
	_ =	swait.ge [sflag:s4], $0xA0  }
0xa: {  	s7 =	simm.s32 $0x1;
	s31 =	ssub.s32 s10, s11;
	[sflag:s4] =	ssyncset.done $0x0  }
0xb: {  	s8 =	sadd.s32 s9, s8;
	s9 =	smax.u32 s31, $0x1;
	[sflag:s4] =	ssyncadd.s32 $0xFFFFFF60  }
0xc: {  	[tilespmem:s6], [sflag:$0x1] =	stream.indirect.gather [hbm4b:s2+s6], $0x10, s3, s6, $0xb8;
	[tilespmem:$0xAA0] =	vst v63  }
0xd: {  	p0 =	sne.s32 s9, $0x1;
	_ =	swait.ge [sflag:s7], $0xA00  }
.Ltmp0:
0xe: {  	[sflag:s7] =	ssyncset.done $0x0;
	(pc) =	sbr.rel @!p0 .LBB2_2-.Ltmp0, $4  }
0xf: {  	s8 =	sadd.s32 $0x800, s8;
	[sflag:s7] =	ssyncadd.s32 $0xFFFFF600  }
0x10: {  	[hbm4b:s8+s3] =	stream.linear.scatter [tilespmem:s6], [sflag:$0x2], $0xA00, $0x38;
	[tilespmem:$0xAA0] =	vst v63  }
0x11: {  	_ =	swait.ge [sflag:s4], $0xA00  }
0x12: {  	s9 =	sadd.s32 $0xFFFFFFFF, s9;
	[sflag:s4] =	ssyncset.done $0x0  }
.LBB2_1:
0x13: {  	p0 =	sne.s32 s9, $0x1;
	s9 =	sadd.s32 $0xFFFFFFFF, s9;
	[sflag:s4] =	ssyncadd.s32 $0xFFFFF600  }
0x14: {  	[tilespmem:s3], [sflag:$0x2] =	stream.linear.gather [hbm4b:s5+s3], $0xA0, $0x38;
	[tilespmem:$0xAA0] =	vst v63  }
0x15: {  	_ =	swait.ge [sflag:s4], $0xA0  }
0x16: {  	[sflag:s4] =	ssyncset.done $0x0  }
0x17: {  	[sflag:s4] =	ssyncadd.s32 $0xFFFFFF60  }
0x18: {  	[tilespmem:s6], [sflag:$0x1] =	stream.indirect.gather [hbm4b:s2+s6], $0x10, s3, s6, $0xb8;
	[tilespmem:$0xAA0] =	vst v63  }
0x19: {  	_ =	swait.ge [sflag:s7], $0xA00  }
.Ltmp1:
0x1a: {  	[sflag:s7] =	ssyncset.done $0x0;
	(pc) =	sbr.rel @p0 .LBB2_1-.Ltmp1, $4  }
0x1b: {  	[sflag:s7] =	ssyncadd.s32 $0xFFFFF600  }
0x1c: {  	[hbm4b:s8+s3] =	stream.linear.scatter [tilespmem:s6], [sflag:$0x2], $0xA00, $0x38;
	[tilespmem:$0xAA0] =	vst v63  }
0x1d: {  	_ =	swait.ge [sflag:s4], $0xA00  }
0x1e: {  	[sflag:s4] =	ssyncset.done $0x0  }
.LBB2_2:
0x1f: {  	[sflag:s4] =	ssyncadd.s32 $0xFFFFF600  }
0x20: {  	_ =	sfence.sel $0x180000  }
0x21: {  	[bflag:$0x0] =	sbarrier.arrive $0xFFFF  }
0x22: {  	p0 =	sne.s32 s0, $0x0;
	_ =	strace $0x90000047  }
0x23: {  	s0 =	sadd.s32 @!p0 $0x100000, s1;
	[bflag:$0x2] =	sbarrier.arrive $0xFFFF  }
0x24: {  	[sflag:s0] =	ssyncadd.tile.s32 @!p0 $0x1;
	_ =	shalt  }
.Lfunc_end2:
_tile_overlayer_lowered:
.L_overlay_start_2:
0x25: {  	(tag) =	ssettag $0x2  }
0x26: {  	s0 =	rddreg [dreg:$0x0];
	s2 =	stileid.u32  }
0x27: {  	s1 =	rddreg [dreg:$0x1];
	p0 =	sne.s32 s2, $0x0  }
0x28: {  	s3 =	rddreg [dreg:$0x2];
	[bflag:$0x3] =	sbarrier.arrive $0xFFFF;
	s2 =	simm.s32 @!p0 $0x1C02  }
0x29: {  	[timem:s3], [sflag:s2] =	dma.local @!p0 [hbm:s0], s1  }
0x2a: {  	s0 =	simm.s32 @!p0 $0x2  }
0x2b: {  	_ =	swait.ge @!p0 [sflag:s0], s1  }
0x2c: {  	s1 =	ssub.s32 @!p0 $0x0, s1;
	[sflag:s0] =	ssyncset.done @!p0 $0x0  }
0x2d: {  	[sflag:s0] =	ssyncadd.s32 @!p0 s1  }
0x2e: {  	[bflag:$0x3] =	sbarrier.arrive $0xFFFF  }
0x2f: {  	_ =	shalt  }

</sc_bundles>
